<compile_context>
chip_gen: v7x
topology: tpu7x:2x2x1
jax: 0.10.2.dev20260603
libtpu: 0.0.44.dev20260713+nightly
codegen_flags: <defaults>
</compile_context>

<pallas_src>
import functools

import jax
import jax.numpy as jnp
from jax import lax
from jax.experimental import pallas as pl
from jax.experimental.pallas import tpu as pltpu
from jax.experimental.pallas import tpu_sc as plsc

NC = 2
NS = 16
NW = NC * NS
CH = 128
CL = 16


def _cdiv(a, b):
  return (a + b - 1) // b




def _make_sc_scatter(n, n_pad, h, k, with_counts):
  rpt = n_pad // NS
  assert n % NS == 0

  def body(*refs):
    if with_counts:
      (y_hbm, src_hbm, dst_hbm, zrow_hbm, zcnt_hbm, ones_hbm,
       acc_hbm, cnt_hbm,
       src_v, dst_v, rows0_v, rows1_v, ones_v, y_sh, acc_sh, cnt_sh,
       g0, g1, s0, s1) = refs
    else:
      (y_hbm, src_hbm, dst_hbm, zrow_hbm,
       acc_hbm,
       src_v, dst_v, rows0_v, rows1_v, y_sh, acc_sh,
       g0, g1, s0, s1) = refs

    c = lax.axis_index("c")
    s = lax.axis_index("s")
    wid = c * NS + s
    r0 = s * rpt

    n_rows = y_hbm.shape[0]
    ypt = n_rows // NS
    pltpu.sync_copy(y_hbm.at[pl.ds(s * ypt, ypt)], y_sh.at[pl.ds(s * ypt, ypt)])
    pltpu.sync_copy(zrow_hbm, acc_sh.at[pl.ds(r0, rpt)])
    if with_counts:
      pltpu.sync_copy(zcnt_hbm, cnt_sh.at[pl.ds(r0, rpt)])
      pltpu.sync_copy(ones_hbm, ones_v)

    pltpu.sync_copy(src_hbm.at[wid], src_v)
    pltpu.sync_copy(dst_hbm.at[wid], dst_v)
    plsc.subcore_barrier()

    def pair(p, carry):
      j0 = 2 * p
      j1 = j0 + 1
      cp0 = pltpu.async_copy(y_sh.at[src_v.at[j0]], rows0_v, g0)
      cp1 = pltpu.async_copy(y_sh.at[src_v.at[j1]], rows1_v, g1)
      cp0.wait()
      sc0 = pltpu.async_copy(rows0_v, acc_sh.at[dst_v.at[j0]], s0, add=True)
      if with_counts:
        pltpu.sync_copy(ones_v, cnt_sh.at[dst_v.at[j0]], add=True)
      cp1.wait()
      sc1 = pltpu.async_copy(rows1_v, acc_sh.at[dst_v.at[j1]], s1, add=True)
      if with_counts:
        pltpu.sync_copy(ones_v, cnt_sh.at[dst_v.at[j1]], add=True)
      sc0.wait()
      sc1.wait()
      return carry

    lax.fori_loop(0, k // 2, pair, 0)
    plsc.subcore_barrier()

    pltpu.sync_copy(acc_sh.at[pl.ds(r0, rpt)], acc_hbm.at[c, pl.ds(r0, rpt)])
    if with_counts:
      pltpu.sync_copy(cnt_sh.at[pl.ds(r0, rpt)], cnt_hbm.at[c, pl.ds(r0, rpt)])

  out_type = [jax.ShapeDtypeStruct((NC, n_pad, h), jnp.float32)]
  scratch = [
      pltpu.VMEM((k, CH), jnp.int32),
      pltpu.VMEM((k, CH), jnp.int32),
      pltpu.VMEM((CH, h), jnp.float32),
      pltpu.VMEM((CH, h), jnp.float32),
  ]
  if with_counts:
    out_type.append(jax.ShapeDtypeStruct((NC, n_pad, CL), jnp.float32))
    scratch.append(pltpu.VMEM((CH, CL), jnp.float32))
  scratch.append(pltpu.VMEM_SHARED((n, h), jnp.float32))
  scratch.append(pltpu.VMEM_SHARED((n_pad, h), jnp.float32))
  if with_counts:
    scratch.append(pltpu.VMEM_SHARED((n_pad, CL), jnp.float32))
  scratch.extend([pltpu.SemaphoreType.DMA] * 4)

  mesh = plsc.VectorSubcoreMesh(
      core_axis_name="c", subcore_axis_name="s",
      num_cores=NC, num_subcores=NS)
  return pl.kernel(
      body, out_type=out_type, mesh=mesh, scratch_types=scratch,
      compiler_params=pltpu.CompilerParams(
          use_tc_tiling_on_sc=False, needs_layout_passes=False))




def _tc_in_body(x_ref, wl_ref, wr_ref, y_ref, r_ref):
  xb = x_ref[...]
  y_ref[...] = jnp.dot(xb, wl_ref[...], preferred_element_type=jnp.float32)
  r_ref[...] = jnp.dot(xb, wr_ref[...], preferred_element_type=jnp.float32)


def _relu_mean(acc_ref, cnt_ref, r_ref, b_ref, n):
  cnt = cnt_ref[0, :n, 0:1] + cnt_ref[1, :n, 0:1]
  inv = 1.0 / jnp.maximum(cnt, 1.0)
  agg = acc_ref[0, :n, :] + acc_ref[1, :n, :]
  return jnp.maximum(agg * inv + b_ref[...] + r_ref[...], 0.0)


def _tc_mid_body(n, acc_ref, cnt_ref, r_ref, b_ref, wl_ref, wr_ref,
                 y_ref, rr_ref):
  h = _relu_mean(acc_ref, cnt_ref, r_ref, b_ref, n)
  y_ref[...] = jnp.dot(h, wl_ref[...], preferred_element_type=jnp.float32)
  rr_ref[...] = jnp.dot(h, wr_ref[...], preferred_element_type=jnp.float32)


def _tc_out_body(n, acc_ref, cnt_ref, r_ref, b_ref, wh_ref, bh_ref,
                 h_ref, log_ref):
  h = _relu_mean(acc_ref, cnt_ref, r_ref, b_ref, n)
  h_ref[...] = h
  log_ref[...] = (
      jnp.dot(h, wh_ref[...], preferred_element_type=jnp.float32)
      + bh_ref[...])




def kernel(x, edge_index, W1_l, b1_l, W1_r, W2_l, b2_l, W2_r, Wh, bh):
  n, d = x.shape
  h = W1_l.shape[1]
  out = Wh.shape[1]
  e = edge_index.shape[1]

  n_pad = _cdiv(n + 1, NS * 8) * NS * 8
  k = 2 * _cdiv(_cdiv(e, NW), 2 * CH)
  e_pad = NW * k * CH

  src = edge_index[0].astype(jnp.int32)
  dst = edge_index[1].astype(jnp.int32)
  src3 = jnp.pad(src, (0, e_pad - e)).reshape(NW, k, CH)
  dst3 = jnp.pad(dst, (0, e_pad - e), constant_values=n).reshape(NW, k, CH)

  rpt = n_pad // NS
  zrow = jnp.zeros((rpt, h), jnp.float32)
  zcnt = jnp.zeros((rpt, CL), jnp.float32)
  ones = jnp.ones((CH, CL), jnp.float32)

  sc_scatter1 = _make_sc_scatter(n, n_pad, h, k, with_counts=True)
  sc_scatter2 = _make_sc_scatter(n, n_pad, h, k, with_counts=False)

  tc_in = pl.pallas_call(
      _tc_in_body,
      out_shape=[jax.ShapeDtypeStruct((n, h), jnp.float32),
                 jax.ShapeDtypeStruct((n, h), jnp.float32)])
  tc_mid = pl.pallas_call(
      functools.partial(_tc_mid_body, n),
      out_shape=[jax.ShapeDtypeStruct((n, h), jnp.float32),
                 jax.ShapeDtypeStruct((n, h), jnp.float32)])
  tc_out = pl.pallas_call(
      functools.partial(_tc_out_body, n),
      out_shape=[jax.ShapeDtypeStruct((n, h), jnp.float32),
                 jax.ShapeDtypeStruct((n, out), jnp.float32)])

  y1, r1 = tc_in(x, W1_l, W1_r)
  acc1, cnt = sc_scatter1(y1, src3, dst3, zrow, zcnt, ones)
  y2, r2 = tc_mid(acc1, cnt, r1, b1_l.reshape(1, h), W2_l, W2_r)
  (acc2,) = sc_scatter2(y2, src3, dst3, zrow)
  h2, logits = tc_out(acc2, cnt, r2, b2_l.reshape(1, h), Wh,
                      bh.reshape(1, out))
  return (logits, h2)

# --- scband reference (transcript-rebuilt; emitter-appended) ---
"""Pipeline reference for scband-survival-gnn-5317169513097 (READ-ONLY COPY).

The authoritative reference and input builder live on the scoring server;
editing this copy changes nothing except your own understanding.
"""

import jax, jax.numpy as jnp
import numpy as np

N = 10000
E = 320000
D = 128
H = 64
OUT = 5


def setup_inputs(seed: int = 0) -> dict:
    key = jax.random.key(seed)
    ks = jax.random.split(key, 12)
    x = jax.random.normal(ks[0], (N, D), dtype=jnp.float32)
    edge_index = jax.random.randint(ks[1], (2, E), 0, N)
    # SAGEConv1: lin_l (neighbor path, with bias), lin_r (root path, no bias)
    W1_l = jax.random.normal(ks[2], (D, H), dtype=jnp.float32) * (1.0 / np.sqrt(D))
    b1_l = jnp.zeros((H,), dtype=jnp.float32)
    W1_r = jax.random.normal(ks[3], (D, H), dtype=jnp.float32) * (1.0 / np.sqrt(D))
    # SAGEConv2
    W2_l = jax.random.normal(ks[4], (H, H), dtype=jnp.float32) * (1.0 / np.sqrt(H))
    b2_l = jnp.zeros((H,), dtype=jnp.float32)
    W2_r = jax.random.normal(ks[5], (H, H), dtype=jnp.float32) * (1.0 / np.sqrt(H))
    # head
    Wh = jax.random.normal(ks[6], (H, OUT), dtype=jnp.float32) * (1.0 / np.sqrt(H))
    bh = jnp.zeros((OUT,), dtype=jnp.float32)
    return {
        "x": x, "edge_index": edge_index,
        "W1_l": W1_l, "b1_l": b1_l, "W1_r": W1_r,
        "W2_l": W2_l, "b2_l": b2_l, "W2_r": W2_r,
        "Wh": Wh, "bh": bh,
    }


def _sage_conv(h, edge_index, W_l, b_l, W_r):
    # PyG SAGEConv with mean aggregation:
    # out = lin_l(mean_{j in N(i)} x_j) + lin_r(x_i)
    src = edge_index[0]
    dst = edge_index[1]
    msgs = h[src]
    agg = jax.ops.segment_sum(msgs, dst, num_segments=N)
    cnt = jax.ops.segment_sum(jnp.ones((msgs.shape[0],), dtype=h.dtype), dst, num_segments=N)
    mean = agg / jnp.clip(cnt, 1.0)[:, None]
    return mean @ W_l + b_l + h @ W_r


def reference(x, edge_index, W1_l, b1_l, W1_r, W2_l, b2_l, W2_r, Wh, bh):
    h = _sage_conv(x, edge_index, W1_l, b1_l, W1_r)
    h = jax.nn.relu(h)
    h = _sage_conv(h, edge_index, W2_l, b2_l, W2_r)
    h = jax.nn.relu(h)
    logits = h @ Wh + bh
    return (logits, h)

if __name__ == "__main__":
    import jax
    _d = setup_inputs()
    print(jax.jit(kernel)(*tuple(_d.values())))

</pallas_src>

<mosaic_0001>
#map = affine_map<(d0, d1) -> (0, 0)>
#map1 = affine_map<(d0, d1) -> (0, 0, 0)>
module attributes {stable_mosaic.version = 14 : i64} {
  func.func @body(%arg0: i32, %arg1: i32, %arg2: memref<10000x64xf32, #tpu.memory_space<hbm>>, %arg3: memref<32x80x128xi32, #tpu.memory_space<hbm>>, %arg4: memref<32x80x128xi32, #tpu.memory_space<hbm>>, %arg5: memref<632x64xf32, #tpu.memory_space<hbm>>, %arg6: memref<2x10112x64xf32, #tpu.memory_space<hbm>>, %arg7: memref<80x128xi32, #tpu.memory_space<vmem>>, %arg8: memref<80x128xi32, #tpu.memory_space<vmem>>, %arg9: memref<128x64xf32, #tpu.memory_space<vmem>>, %arg10: memref<128x64xf32, #tpu.memory_space<vmem>>, %arg11: memref<10000x64xf32, #tpu.memory_space<vmem_shared>>, %arg12: memref<10112x64xf32, #tpu.memory_space<vmem_shared>>, %arg13: memref<!tpu.dma_semaphore, #tpu.memory_space<semaphore_mem>>, %arg14: memref<!tpu.dma_semaphore, #tpu.memory_space<semaphore_mem>>, %arg15: memref<!tpu.dma_semaphore, #tpu.memory_space<semaphore_mem>>, %arg16: memref<!tpu.dma_semaphore, #tpu.memory_space<semaphore_mem>>) attributes {dimension_semantics = [#tpu.dimension_semantics<core_parallel>, #tpu.dimension_semantics<subcore_parallel>], iteration_bounds = array<i64: 2, 16>, scalar_prefetch = 0 : i64, scratch_operands = 10 : i64, tpu.core_type = #tpu.core_type<sc_vector_subcore>, window_params = [{transform_indices = #map}, {transform_indices = #map1}, {transform_indices = #map1}, {transform_indices = #map}, {transform_indices = #map1}]} {
    %mul3A = arith.constant 16 : i32
    %mul3A_0 = arith.muli %arg0, %mul3A : i32
    %add3A = arith.addi %mul3A_0, %arg1 : i32
    %mul3A_1 = arith.constant 632 : i32
    %mul3A_2 = arith.muli %arg1, %mul3A_1 : i32
    %mul3A_3 = arith.constant 625 : i32
    %mul3A_4 = arith.muli %arg1, %mul3A_3 : i32
    %mul3A_5 = arith.constant 625 : i32
    %mul3A_6 = arith.muli %arg1, %mul3A_5 : i32
    "tpu.region"() ({
      %run_scoped3A = tpu.sem_alloc : memref<!tpu.dma_semaphore, #tpu.memory_space<semaphore_mem>>
      %dma_start3A = arith.constant 0 : i32
      %dma_start3A_13 = tpu.memref_slice %arg11[%mul3A_6, %dma_start3A] : memref<10000x64xf32, #tpu.memory_space<vmem_shared>> -> memref<625x64xf32, #tpu.memory_space<vmem_shared>>
      %dma_start3A_14 = arith.constant 0 : i32
      %dma_start3A_15 = tpu.memref_slice %arg2[%mul3A_4, %dma_start3A_14] : memref<10000x64xf32, #tpu.memory_space<hbm>> -> memref<625x64xf32, #tpu.memory_space<hbm>>
      tpu.enqueue_dma source(%dma_start3A_15 : memref<625x64xf32, #tpu.memory_space<hbm>>) target(%dma_start3A_13 : memref<625x64xf32, #tpu.memory_space<vmem_shared>>) target_semaphore(%run_scoped3A : memref<!tpu.dma_semaphore, #tpu.memory_space<semaphore_mem>>)
      %dma_wait3A = arith.constant 0 : i32
      %dma_wait3A_16 = tpu.memref_slice %arg11[%mul3A_6, %dma_wait3A] : memref<10000x64xf32, #tpu.memory_space<vmem_shared>> -> memref<625x64xf32, #tpu.memory_space<vmem_shared>>
      %dma_wait3A_17 = arith.constant 0 : i32
      %dma_wait3A_18 = tpu.memref_slice %arg2[%mul3A_4, %dma_wait3A_17] : memref<10000x64xf32, #tpu.memory_space<hbm>> -> memref<625x64xf32, #tpu.memory_space<hbm>>
      tpu.wait_dma2 semaphore(%run_scoped3A : memref<!tpu.dma_semaphore, #tpu.memory_space<semaphore_mem>>) src(%dma_wait3A_18 : memref<625x64xf32, #tpu.memory_space<hbm>>) dst(%dma_wait3A_16 : memref<625x64xf32, #tpu.memory_space<vmem_shared>>)
      tpu.yield
    }) : () -> ()
    "tpu.region"() ({
      %run_scoped3A = tpu.sem_alloc : memref<!tpu.dma_semaphore, #tpu.memory_space<semaphore_mem>>
      %dma_start3A = arith.constant 0 : i32
      %dma_start3A_13 = tpu.memref_slice %arg12[%mul3A_2, %dma_start3A] : memref<10112x64xf32, #tpu.memory_space<vmem_shared>> -> memref<632x64xf32, #tpu.memory_space<vmem_shared>>
      tpu.enqueue_dma source(%arg5 : memref<632x64xf32, #tpu.memory_space<hbm>>) target(%dma_start3A_13 : memref<632x64xf32, #tpu.memory_space<vmem_shared>>) target_semaphore(%run_scoped3A : memref<!tpu.dma_semaphore, #tpu.memory_space<semaphore_mem>>)
      %dma_wait3A = arith.constant 0 : i32
      %dma_wait3A_14 = tpu.memref_slice %arg12[%mul3A_2, %dma_wait3A] : memref<10112x64xf32, #tpu.memory_space<vmem_shared>> -> memref<632x64xf32, #tpu.memory_space<vmem_shared>>
      tpu.wait_dma2 semaphore(%run_scoped3A : memref<!tpu.dma_semaphore, #tpu.memory_space<semaphore_mem>>) src(%arg5 : memref<632x64xf32, #tpu.memory_space<hbm>>) dst(%dma_wait3A_14 : memref<632x64xf32, #tpu.memory_space<vmem_shared>>)
      tpu.yield
    }) : () -> ()
    "tpu.region"() ({
      %run_scoped3A = tpu.sem_alloc : memref<!tpu.dma_semaphore, #tpu.memory_space<semaphore_mem>>
      %dma_start3A = arith.constant 0 : i32
      %dma_start3A_13 = arith.constant 0 : i32
      %dma_start3A_14 = tpu.memref_slice %arg3[%add3A, %dma_start3A, %dma_start3A_13] : memref<32x80x128xi32, #tpu.memory_space<hbm>> -> memref<1x80x128xi32, #tpu.memory_space<hbm>>
      %dma_start3A_15 = tpu.memref_squeeze %dma_start3A_14 : memref<1x80x128xi32, #tpu.memory_space<hbm>> -> memref<80x128xi32, #tpu.memory_space<hbm>>
      %dma_start3A_16 = arith.constant 0 : i32
      %dma_start3A_17 = arith.constant 0 : i32
      %dma_start3A_18 = tpu.memref_slice %arg3[%add3A, %dma_start3A_16, %dma_start3A_17] : memref<32x80x128xi32, #tpu.memory_space<hbm>> -> memref<1x80x128xi32, #tpu.memory_space<hbm>>
      %dma_start3A_19 = tpu.memref_squeeze %dma_start3A_18 : memref<1x80x128xi32, #tpu.memory_space<hbm>> -> memref<80x128xi32, #tpu.memory_space<hbm>>
      tpu.enqueue_dma source(%dma_start3A_19 : memref<80x128xi32, #tpu.memory_space<hbm>>) target(%arg7 : memref<80x128xi32, #tpu.memory_space<vmem>>) target_semaphore(%run_scoped3A : memref<!tpu.dma_semaphore, #tpu.memory_space<semaphore_mem>>)
      %dma_wait3A = arith.constant 0 : i32
      %dma_wait3A_20 = arith.constant 0 : i32
      %dma_wait3A_21 = tpu.memref_slice %arg3[%add3A, %dma_wait3A, %dma_wait3A_20] : memref<32x80x128xi32, #tpu.memory_space<hbm>> -> memref<1x80x128xi32, #tpu.memory_space<hbm>>
      %dma_wait3A_22 = tpu.memref_squeeze %dma_wait3A_21 : memref<1x80x128xi32, #tpu.memory_space<hbm>> -> memref<80x128xi32, #tpu.memory_space<hbm>>
      %dma_wait3A_23 = arith.constant 0 : i32
      %dma_wait3A_24 = arith.constant 0 : i32
      %dma_wait3A_25 = tpu.memref_slice %arg3[%add3A, %dma_wait3A_23, %dma_wait3A_24] : memref<32x80x128xi32, #tpu.memory_space<hbm>> -> memref<1x80x128xi32, #tpu.memory_space<hbm>>
      %dma_wait3A_26 = tpu.memref_squeeze %dma_wait3A_25 : memref<1x80x128xi32, #tpu.memory_space<hbm>> -> memref<80x128xi32, #tpu.memory_space<hbm>>
      tpu.wait_dma2 semaphore(%run_scoped3A : memref<!tpu.dma_semaphore, #tpu.memory_space<semaphore_mem>>) src(%dma_wait3A_26 : memref<80x128xi32, #tpu.memory_space<hbm>>) dst(%arg7 : memref<80x128xi32, #tpu.memory_space<vmem>>)
      tpu.yield
    }) : () -> ()
    "tpu.region"() ({
      %run_scoped3A = tpu.sem_alloc : memref<!tpu.dma_semaphore, #tpu.memory_space<semaphore_mem>>
      %dma_start3A = arith.constant 0 : i32
      %dma_start3A_13 = arith.constant 0 : i32
      %dma_start3A_14 = tpu.memref_slice %arg4[%add3A, %dma_start3A, %dma_start3A_13] : memref<32x80x128xi32, #tpu.memory_space<hbm>> -> memref<1x80x128xi32, #tpu.memory_space<hbm>>
      %dma_start3A_15 = tpu.memref_squeeze %dma_start3A_14 : memref<1x80x128xi32, #tpu.memory_space<hbm>> -> memref<80x128xi32, #tpu.memory_space<hbm>>
      %dma_start3A_16 = arith.constant 0 : i32
      %dma_start3A_17 = arith.constant 0 : i32
      %dma_start3A_18 = tpu.memref_slice %arg4[%add3A, %dma_start3A_16, %dma_start3A_17] : memref<32x80x128xi32, #tpu.memory_space<hbm>> -> memref<1x80x128xi32, #tpu.memory_space<hbm>>
      %dma_start3A_19 = tpu.memref_squeeze %dma_start3A_18 : memref<1x80x128xi32, #tpu.memory_space<hbm>> -> memref<80x128xi32, #tpu.memory_space<hbm>>
      tpu.enqueue_dma source(%dma_start3A_19 : memref<80x128xi32, #tpu.memory_space<hbm>>) target(%arg8 : memref<80x128xi32, #tpu.memory_space<vmem>>) target_semaphore(%run_scoped3A : memref<!tpu.dma_semaphore, #tpu.memory_space<semaphore_mem>>)
      %dma_wait3A = arith.constant 0 : i32
      %dma_wait3A_20 = arith.constant 0 : i32
      %dma_wait3A_21 = tpu.memref_slice %arg4[%add3A, %dma_wait3A, %dma_wait3A_20] : memref<32x80x128xi32, #tpu.memory_space<hbm>> -> memref<1x80x128xi32, #tpu.memory_space<hbm>>
      %dma_wait3A_22 = tpu.memref_squeeze %dma_wait3A_21 : memref<1x80x128xi32, #tpu.memory_space<hbm>> -> memref<80x128xi32, #tpu.memory_space<hbm>>
      %dma_wait3A_23 = arith.constant 0 : i32
      %dma_wait3A_24 = arith.constant 0 : i32
      %dma_wait3A_25 = tpu.memref_slice %arg4[%add3A, %dma_wait3A_23, %dma_wait3A_24] : memref<32x80x128xi32, #tpu.memory_space<hbm>> -> memref<1x80x128xi32, #tpu.memory_space<hbm>>
      %dma_wait3A_26 = tpu.memref_squeeze %dma_wait3A_25 : memref<1x80x128xi32, #tpu.memory_space<hbm>> -> memref<80x128xi32, #tpu.memory_space<hbm>>
      tpu.wait_dma2 semaphore(%run_scoped3A : memref<!tpu.dma_semaphore, #tpu.memory_space<semaphore_mem>>) src(%dma_wait3A_26 : memref<80x128xi32, #tpu.memory_space<hbm>>) dst(%arg8 : memref<80x128xi32, #tpu.memory_space<vmem>>)
      tpu.yield
    }) : () -> ()
    %barrier3A = arith.constant 0 : index
    tpu.barrier barrier_id(%barrier3A)
    %scan3A = arith.constant 0 : i32
    %scan3A_7 = arith.constant 0 : i32
    %scan3A_8 = arith.constant 40 : i32
    %scan3A_9 = arith.addi %scan3A_7, %scan3A_8 : i32
    %scan3A_10 = arith.constant 1 : i32
    scf.for %scan3A_13 = %scan3A_7 to %scan3A_9 step %scan3A_10  : i32 {
      %mul3A_14 = arith.constant 2 : i32
      %mul3A_15 = arith.muli %mul3A_14, %scan3A_13 : i32
      %add3A_16 = arith.constant 1 : i32
      %add3A_17 = arith.addi %mul3A_15, %add3A_16 : i32
      %dma_start3A = arith.constant 0 : i32
      %dma_start3A_18 = tpu.memref_slice %arg7[%mul3A_15, %dma_start3A] : memref<80x128xi32, #tpu.memory_space<vmem>> -> memref<1x128xi32, #tpu.memory_space<vmem>>
      %dma_start3A_19 = tpu.memref_squeeze %dma_start3A_18 : memref<1x128xi32, #tpu.memory_space<vmem>> -> memref<128xi32, #tpu.memory_space<vmem>>
      %dma_start3A_20 = arith.constant 0 : i32
      %dma_start3A_21 = arith.constant 0 : i32
      %dma_start3A_22 = tpu.memref_slice %arg11[%dma_start3A_20, %dma_start3A_21] : memref<10000x64xf32, #tpu.memory_space<vmem_shared>> -> memref<10000x64xf32, #tpu.memory_space<vmem_shared>>
      tpu.enqueue_indirect_dma source(%dma_start3A_22 : memref<10000x64xf32, #tpu.memory_space<vmem_shared>>) target(%arg9 : memref<128x64xf32, #tpu.memory_space<vmem>>) offsets(%dma_start3A_19 : memref<128xi32, #tpu.memory_space<vmem>>) semaphore(%arg13 : memref<!tpu.dma_semaphore, #tpu.memory_space<semaphore_mem>>)
      %dma_start3A_23 = arith.constant 0 : i32
      %dma_start3A_24 = tpu.memref_slice %arg7[%add3A_17, %dma_start3A_23] : memref<80x128xi32, #tpu.memory_space<vmem>> -> memref<1x128xi32, #tpu.memory_space<vmem>>
      %dma_start3A_25 = tpu.memref_squeeze %dma_start3A_24 : memref<1x128xi32, #tpu.memory_space<vmem>> -> memref<128xi32, #tpu.memory_space<vmem>>
      %dma_start3A_26 = arith.constant 0 : i32
      %dma_start3A_27 = arith.constant 0 : i32
      %dma_start3A_28 = tpu.memref_slice %arg11[%dma_start3A_26, %dma_start3A_27] : memref<10000x64xf32, #tpu.memory_space<vmem_shared>> -> memref<10000x64xf32, #tpu.memory_space<vmem_shared>>
      tpu.enqueue_indirect_dma source(%dma_start3A_28 : memref<10000x64xf32, #tpu.memory_space<vmem_shared>>) target(%arg10 : memref<128x64xf32, #tpu.memory_space<vmem>>) offsets(%dma_start3A_25 : memref<128xi32, #tpu.memory_space<vmem>>) semaphore(%arg14 : memref<!tpu.dma_semaphore, #tpu.memory_space<semaphore_mem>>)
      %dma_wait3A = arith.constant 0 : i32
      %dma_wait3A_29 = tpu.memref_slice %arg7[%mul3A_15, %dma_wait3A] : memref<80x128xi32, #tpu.memory_space<vmem>> -> memref<1x128xi32, #tpu.memory_space<vmem>>
      %dma_wait3A_30 = tpu.memref_squeeze %dma_wait3A_29 : memref<1x128xi32, #tpu.memory_space<vmem>> -> memref<128xi32, #tpu.memory_space<vmem>>
      %dma_wait3A_31 = arith.constant 0 : i32
      %dma_wait3A_32 = arith.constant 0 : i32
      %dma_wait3A_33 = tpu.memref_slice %arg11[%dma_wait3A_31, %dma_wait3A_32] : memref<10000x64xf32, #tpu.memory_space<vmem_shared>> -> memref<10000x64xf32, #tpu.memory_space<vmem_shared>>
      tpu.wait_indirect_dma semaphore(%arg13 : memref<!tpu.dma_semaphore, #tpu.memory_space<semaphore_mem>>) src(%dma_wait3A_33 : memref<10000x64xf32, #tpu.memory_space<vmem_shared>>) dst(%arg9 : memref<128x64xf32, #tpu.memory_space<vmem>>)
      %dma_start3A_34 = arith.constant 0 : i32
      %dma_start3A_35 = tpu.memref_slice %arg8[%mul3A_15, %dma_start3A_34] : memref<80x128xi32, #tpu.memory_space<vmem>> -> memref<1x128xi32, #tpu.memory_space<vmem>>
      %dma_start3A_36 = tpu.memref_squeeze %dma_start3A_35 : memref<1x128xi32, #tpu.memory_space<vmem>> -> memref<128xi32, #tpu.memory_space<vmem>>
      %dma_start3A_37 = arith.constant 0 : i32
      %dma_start3A_38 = arith.constant 0 : i32
      %dma_start3A_39 = tpu.memref_slice %arg12[%dma_start3A_37, %dma_start3A_38] : memref<10112x64xf32, #tpu.memory_space<vmem_shared>> -> memref<10112x64xf32, #tpu.memory_space<vmem_shared>>
      tpu.enqueue_indirect_dma source(%arg9 : memref<128x64xf32, #tpu.memory_space<vmem>>) target(%dma_start3A_39 : memref<10112x64xf32, #tpu.memory_space<vmem_shared>>) offsets(%dma_start3A_36 : memref<128xi32, #tpu.memory_space<vmem>>) semaphore(%arg15 : memref<!tpu.dma_semaphore, #tpu.memory_space<semaphore_mem>>) {add = true}
      %dma_wait3A_40 = arith.constant 0 : i32
      %dma_wait3A_41 = tpu.memref_slice %arg7[%add3A_17, %dma_wait3A_40] : memref<80x128xi32, #tpu.memory_space<vmem>> -> memref<1x128xi32, #tpu.memory_space<vmem>>
      %dma_wait3A_42 = tpu.memref_squeeze %dma_wait3A_41 : memref<1x128xi32, #tpu.memory_space<vmem>> -> memref<128xi32, #tpu.memory_space<vmem>>
      %dma_wait3A_43 = arith.constant 0 : i32
      %dma_wait3A_44 = arith.constant 0 : i32
      %dma_wait3A_45 = tpu.memref_slice %arg11[%dma_wait3A_43, %dma_wait3A_44] : memref<10000x64xf32, #tpu.memory_space<vmem_shared>> -> memref<10000x64xf32, #tpu.memory_space<vmem_shared>>
      tpu.wait_indirect_dma semaphore(%arg14 : memref<!tpu.dma_semaphore, #tpu.memory_space<semaphore_mem>>) src(%dma_wait3A_45 : memref<10000x64xf32, #tpu.memory_space<vmem_shared>>) dst(%arg10 : memref<128x64xf32, #tpu.memory_space<vmem>>)
      %dma_start3A_46 = arith.constant 0 : i32
      %dma_start3A_47 = tpu.memref_slice %arg8[%add3A_17, %dma_start3A_46] : memref<80x128xi32, #tpu.memory_space<vmem>> -> memref<1x128xi32, #tpu.memory_space<vmem>>
      %dma_start3A_48 = tpu.memref_squeeze %dma_start3A_47 : memref<1x128xi32, #tpu.memory_space<vmem>> -> memref<128xi32, #tpu.memory_space<vmem>>
      %dma_start3A_49 = arith.constant 0 : i32
      %dma_start3A_50 = arith.constant 0 : i32
      %dma_start3A_51 = tpu.memref_slice %arg12[%dma_start3A_49, %dma_start3A_50] : memref<10112x64xf32, #tpu.memory_space<vmem_shared>> -> memref<10112x64xf32, #tpu.memory_space<vmem_shared>>
      tpu.enqueue_indirect_dma source(%arg10 : memref<128x64xf32, #tpu.memory_space<vmem>>) target(%dma_start3A_51 : memref<10112x64xf32, #tpu.memory_space<vmem_shared>>) offsets(%dma_start3A_48 : memref<128xi32, #tpu.memory_space<vmem>>) semaphore(%arg16 : memref<!tpu.dma_semaphore, #tpu.memory_space<semaphore_mem>>) {add = true}
      %dma_wait3A_52 = arith.constant 0 : i32
      %dma_wait3A_53 = tpu.memref_slice %arg8[%mul3A_15, %dma_wait3A_52] : memref<80x128xi32, #tpu.memory_space<vmem>> -> memref<1x128xi32, #tpu.memory_space<vmem>>
      %dma_wait3A_54 = tpu.memref_squeeze %dma_wait3A_53 : memref<1x128xi32, #tpu.memory_space<vmem>> -> memref<128xi32, #tpu.memory_space<vmem>>
      %dma_wait3A_55 = arith.constant 0 : i32
      %dma_wait3A_56 = arith.constant 0 : i32
      %dma_wait3A_57 = tpu.memref_slice %arg12[%dma_wait3A_55, %dma_wait3A_56] : memref<10112x64xf32, #tpu.memory_space<vmem_shared>> -> memref<10112x64xf32, #tpu.memory_space<vmem_shared>>
      tpu.wait_indirect_dma semaphore(%arg15 : memref<!tpu.dma_semaphore, #tpu.memory_space<semaphore_mem>>) src(%arg9 : memref<128x64xf32, #tpu.memory_space<vmem>>) dst(%dma_wait3A_57 : memref<10112x64xf32, #tpu.memory_space<vmem_shared>>)
      %dma_wait3A_58 = arith.constant 0 : i32
      %dma_wait3A_59 = tpu.memref_slice %arg8[%add3A_17, %dma_wait3A_58] : memref<80x128xi32, #tpu.memory_space<vmem>> -> memref<1x128xi32, #tpu.memory_space<vmem>>
      %dma_wait3A_60 = tpu.memref_squeeze %dma_wait3A_59 : memref<1x128xi32, #tpu.memory_space<vmem>> -> memref<128xi32, #tpu.memory_space<vmem>>
      %dma_wait3A_61 = arith.constant 0 : i32
      %dma_wait3A_62 = arith.constant 0 : i32
      %dma_wait3A_63 = tpu.memref_slice %arg12[%dma_wait3A_61, %dma_wait3A_62] : memref<10112x64xf32, #tpu.memory_space<vmem_shared>> -> memref<10112x64xf32, #tpu.memory_space<vmem_shared>>
      tpu.wait_indirect_dma semaphore(%arg16 : memref<!tpu.dma_semaphore, #tpu.memory_space<semaphore_mem>>) src(%arg10 : memref<128x64xf32, #tpu.memory_space<vmem>>) dst(%dma_wait3A_63 : memref<10112x64xf32, #tpu.memory_space<vmem_shared>>)
    }
    %scan3A_11 = arith.constant 40 : i32
    %barrier3A_12 = arith.constant 0 : index
    tpu.barrier barrier_id(%barrier3A_12)
    "tpu.region"() ({
      %run_scoped3A = tpu.sem_alloc : memref<!tpu.dma_semaphore, #tpu.memory_space<semaphore_mem>>
      %dma_start3A = arith.constant 0 : i32
      %dma_start3A_13 = tpu.memref_slice %arg6[%arg0, %mul3A_2, %dma_start3A] : memref<2x10112x64xf32, #tpu.memory_space<hbm>> -> memref<1x632x64xf32, #tpu.memory_space<hbm>>
      %dma_start3A_14 = tpu.memref_squeeze %dma_start3A_13 : memref<1x632x64xf32, #tpu.memory_space<hbm>> -> memref<632x64xf32, #tpu.memory_space<hbm>>
      %dma_start3A_15 = arith.constant 0 : i32
      %dma_start3A_16 = tpu.memref_slice %arg12[%mul3A_2, %dma_start3A_15] : memref<10112x64xf32, #tpu.memory_space<vmem_shared>> -> memref<632x64xf32, #tpu.memory_space<vmem_shared>>
      tpu.enqueue_dma source(%dma_start3A_16 : memref<632x64xf32, #tpu.memory_space<vmem_shared>>) target(%dma_start3A_14 : memref<632x64xf32, #tpu.memory_space<hbm>>) target_semaphore(%run_scoped3A : memref<!tpu.dma_semaphore, #tpu.memory_space<semaphore_mem>>)
      %dma_wait3A = arith.constant 0 : i32
      %dma_wait3A_17 = tpu.memref_slice %arg6[%arg0, %mul3A_2, %dma_wait3A] : memref<2x10112x64xf32, #tpu.memory_space<hbm>> -> memref<1x632x64xf32, #tpu.memory_space<hbm>>
      %dma_wait3A_18 = tpu.memref_squeeze %dma_wait3A_17 : memref<1x632x64xf32, #tpu.memory_space<hbm>> -> memref<632x64xf32, #tpu.memory_space<hbm>>
      %dma_wait3A_19 = arith.constant 0 : i32
      %dma_wait3A_20 = tpu.memref_slice %arg12[%mul3A_2, %dma_wait3A_19] : memref<10112x64xf32, #tpu.memory_space<vmem_shared>> -> memref<632x64xf32, #tpu.memory_space<vmem_shared>>
      tpu.wait_dma2 semaphore(%run_scoped3A : memref<!tpu.dma_semaphore, #tpu.memory_space<semaphore_mem>>) src(%dma_wait3A_20 : memref<632x64xf32, #tpu.memory_space<vmem_shared>>) dst(%dma_wait3A_18 : memref<632x64xf32, #tpu.memory_space<hbm>>)
      tpu.yield
    }) : () -> ()
    return
  }
}

#map = affine_map<(d0, d1) -> (0, 0)>
#map1 = affine_map<(d0, d1) -> (0, 0, 0)>
module attributes {stable_mosaic.version = 14 : i64} {
  func.func @body(%arg0: i32, %arg1: i32, %arg2: memref<10000x64xf32, #tpu.memory_space<hbm>>, %arg3: memref<32x80x128xi32, #tpu.memory_space<hbm>>, %arg4: memref<32x80x128xi32, #tpu.memory_space<hbm>>, %arg5: memref<632x64xf32, #tpu.memory_space<hbm>>, %arg6: memref<632x16xf32, #tpu.memory_space<hbm>>, %arg7: memref<128x16xf32, #tpu.memory_space<hbm>>, %arg8: memref<2x10112x64xf32, #tpu.memory_space<hbm>>, %arg9: memref<2x10112x16xf32, #tpu.memory_space<hbm>>, %arg10: memref<80x128xi32, #tpu.memory_space<vmem>>, %arg11: memref<80x128xi32, #tpu.memory_space<vmem>>, %arg12: memref<128x64xf32, #tpu.memory_space<vmem>>, %arg13: memref<128x64xf32, #tpu.memory_space<vmem>>, %arg14: memref<128x16xf32, #tpu.memory_space<vmem>>, %arg15: memref<10000x64xf32, #tpu.memory_space<vmem_shared>>, %arg16: memref<10112x64xf32, #tpu.memory_space<vmem_shared>>, %arg17: memref<10112x16xf32, #tpu.memory_space<vmem_shared>>, %arg18: memref<!tpu.dma_semaphore, #tpu.memory_space<semaphore_mem>>, %arg19: memref<!tpu.dma_semaphore, #tpu.memory_space<semaphore_mem>>, %arg20: memref<!tpu.dma_semaphore, #tpu.memory_space<semaphore_mem>>, %arg21: memref<!tpu.dma_semaphore, #tpu.memory_space<semaphore_mem>>) attributes {dimension_semantics = [#tpu.dimension_semantics<core_parallel>, #tpu.dimension_semantics<subcore_parallel>], iteration_bounds = array<i64: 2, 16>, scalar_prefetch = 0 : i64, scratch_operands = 12 : i64, tpu.core_type = #tpu.core_type<sc_vector_subcore>, window_params = [{transform_indices = #map}, {transform_indices = #map1}, {transform_indices = #map1}, {transform_indices = #map}, {transform_indices = #map}, {transform_indices = #map}, {transform_indices = #map1}, {transform_indices = #map1}]} {
    %mul3A = arith.constant 16 : i32
    %mul3A_0 = arith.muli %arg0, %mul3A : i32
    %add3A = arith.addi %mul3A_0, %arg1 : i32
    %mul3A_1 = arith.constant 632 : i32
    %mul3A_2 = arith.muli %arg1, %mul3A_1 : i32
    %mul3A_3 = arith.constant 625 : i32
    %mul3A_4 = arith.muli %arg1, %mul3A_3 : i32
    %mul3A_5 = arith.constant 625 : i32
    %mul3A_6 = arith.muli %arg1, %mul3A_5 : i32
    "tpu.region"() ({
      %run_scoped3A = tpu.sem_alloc : memref<!tpu.dma_semaphore, #tpu.memory_space<semaphore_mem>>
      %dma_start3A = arith.constant 0 : i32
      %dma_start3A_13 = tpu.memref_slice %arg15[%mul3A_6, %dma_start3A] : memref<10000x64xf32, #tpu.memory_space<vmem_shared>> -> memref<625x64xf32, #tpu.memory_space<vmem_shared>>
      %dma_start3A_14 = arith.constant 0 : i32
      %dma_start3A_15 = tpu.memref_slice %arg2[%mul3A_4, %dma_start3A_14] : memref<10000x64xf32, #tpu.memory_space<hbm>> -> memref<625x64xf32, #tpu.memory_space<hbm>>
      tpu.enqueue_dma source(%dma_start3A_15 : memref<625x64xf32, #tpu.memory_space<hbm>>) target(%dma_start3A_13 : memref<625x64xf32, #tpu.memory_space<vmem_shared>>) target_semaphore(%run_scoped3A : memref<!tpu.dma_semaphore, #tpu.memory_space<semaphore_mem>>)
      %dma_wait3A = arith.constant 0 : i32
      %dma_wait3A_16 = tpu.memref_slice %arg15[%mul3A_6, %dma_wait3A] : memref<10000x64xf32, #tpu.memory_space<vmem_shared>> -> memref<625x64xf32, #tpu.memory_space<vmem_shared>>
      %dma_wait3A_17 = arith.constant 0 : i32
      %dma_wait3A_18 = tpu.memref_slice %arg2[%mul3A_4, %dma_wait3A_17] : memref<10000x64xf32, #tpu.memory_space<hbm>> -> memref<625x64xf32, #tpu.memory_space<hbm>>
      tpu.wait_dma2 semaphore(%run_scoped3A : memref<!tpu.dma_semaphore, #tpu.memory_space<semaphore_mem>>) src(%dma_wait3A_18 : memref<625x64xf32, #tpu.memory_space<hbm>>) dst(%dma_wait3A_16 : memref<625x64xf32, #tpu.memory_space<vmem_shared>>)
      tpu.yield
    }) : () -> ()
    "tpu.region"() ({
      %run_scoped3A = tpu.sem_alloc : memref<!tpu.dma_semaphore, #tpu.memory_space<semaphore_mem>>
      %dma_start3A = arith.constant 0 : i32
      %dma_start3A_13 = tpu.memref_slice %arg16[%mul3A_2, %dma_start3A] : memref<10112x64xf32, #tpu.memory_space<vmem_shared>> -> memref<632x64xf32, #tpu.memory_space<vmem_shared>>
      tpu.enqueue_dma source(%arg5 : memref<632x64xf32, #tpu.memory_space<hbm>>) target(%dma_start3A_13 : memref<632x64xf32, #tpu.memory_space<vmem_shared>>) target_semaphore(%run_scoped3A : memref<!tpu.dma_semaphore, #tpu.memory_space<semaphore_mem>>)
      %dma_wait3A = arith.constant 0 : i32
      %dma_wait3A_14 = tpu.memref_slice %arg16[%mul3A_2, %dma_wait3A] : memref<10112x64xf32, #tpu.memory_space<vmem_shared>> -> memref<632x64xf32, #tpu.memory_space<vmem_shared>>
      tpu.wait_dma2 semaphore(%run_scoped3A : memref<!tpu.dma_semaphore, #tpu.memory_space<semaphore_mem>>) src(%arg5 : memref<632x64xf32, #tpu.memory_space<hbm>>) dst(%dma_wait3A_14 : memref<632x64xf32, #tpu.memory_space<vmem_shared>>)
      tpu.yield
    }) : () -> ()
    "tpu.region"() ({
      %run_scoped3A = tpu.sem_alloc : memref<!tpu.dma_semaphore, #tpu.memory_space<semaphore_mem>>
      %dma_start3A = arith.constant 0 : i32
      %dma_start3A_13 = tpu.memref_slice %arg17[%mul3A_2, %dma_start3A] : memref<10112x16xf32, #tpu.memory_space<vmem_shared>> -> memref<632x16xf32, #tpu.memory_space<vmem_shared>>
      tpu.enqueue_dma source(%arg6 : memref<632x16xf32, #tpu.memory_space<hbm>>) target(%dma_start3A_13 : memref<632x16xf32, #tpu.memory_space<vmem_shared>>) target_semaphore(%run_scoped3A : memref<!tpu.dma_semaphore, #tpu.memory_space<semaphore_mem>>)
      %dma_wait3A = arith.constant 0 : i32
      %dma_wait3A_14 = tpu.memref_slice %arg17[%mul3A_2, %dma_wait3A] : memref<10112x16xf32, #tpu.memory_space<vmem_shared>> -> memref<632x16xf32, #tpu.memory_space<vmem_shared>>
      tpu.wait_dma2 semaphore(%run_scoped3A : memref<!tpu.dma_semaphore, #tpu.memory_space<semaphore_mem>>) src(%arg6 : memref<632x16xf32, #tpu.memory_space<hbm>>) dst(%dma_wait3A_14 : memref<632x16xf32, #tpu.memory_space<vmem_shared>>)
      tpu.yield
    }) : () -> ()
    "tpu.region"() ({
      %run_scoped3A = tpu.sem_alloc : memref<!tpu.dma_semaphore, #tpu.memory_space<semaphore_mem>>
      tpu.enqueue_dma source(%arg7 : memref<128x16xf32, #tpu.memory_space<hbm>>) target(%arg14 : memref<128x16xf32, #tpu.memory_space<vmem>>) target_semaphore(%run_scoped3A : memref<!tpu.dma_semaphore, #tpu.memory_space<semaphore_mem>>)
      tpu.wait_dma2 semaphore(%run_scoped3A : memref<!tpu.dma_semaphore, #tpu.memory_space<semaphore_mem>>) src(%arg7 : memref<128x16xf32, #tpu.memory_space<hbm>>) dst(%arg14 : memref<128x16xf32, #tpu.memory_space<vmem>>)
      tpu.yield
    }) : () -> ()
    "tpu.region"() ({
      %run_scoped3A = tpu.sem_alloc : memref<!tpu.dma_semaphore, #tpu.memory_space<semaphore_mem>>
      %dma_start3A = arith.constant 0 : i32
      %dma_start3A_13 = arith.constant 0 : i32
      %dma_start3A_14 = tpu.memref_slice %arg3[%add3A, %dma_start3A, %dma_start3A_13] : memref<32x80x128xi32, #tpu.memory_space<hbm>> -> memref<1x80x128xi32, #tpu.memory_space<hbm>>
      %dma_start3A_15 = tpu.memref_squeeze %dma_start3A_14 : memref<1x80x128xi32, #tpu.memory_space<hbm>> -> memref<80x128xi32, #tpu.memory_space<hbm>>
      %dma_start3A_16 = arith.constant 0 : i32
      %dma_start3A_17 = arith.constant 0 : i32
      %dma_start3A_18 = tpu.memref_slice %arg3[%add3A, %dma_start3A_16, %dma_start3A_17] : memref<32x80x128xi32, #tpu.memory_space<hbm>> -> memref<1x80x128xi32, #tpu.memory_space<hbm>>
      %dma_start3A_19 = tpu.memref_squeeze %dma_start3A_18 : memref<1x80x128xi32, #tpu.memory_space<hbm>> -> memref<80x128xi32, #tpu.memory_space<hbm>>
      tpu.enqueue_dma source(%dma_start3A_19 : memref<80x128xi32, #tpu.memory_space<hbm>>) target(%arg10 : memref<80x128xi32, #tpu.memory_space<vmem>>) target_semaphore(%run_scoped3A : memref<!tpu.dma_semaphore, #tpu.memory_space<semaphore_mem>>)
      %dma_wait3A = arith.constant 0 : i32
      %dma_wait3A_20 = arith.constant 0 : i32
      %dma_wait3A_21 = tpu.memref_slice %arg3[%add3A, %dma_wait3A, %dma_wait3A_20] : memref<32x80x128xi32, #tpu.memory_space<hbm>> -> memref<1x80x128xi32, #tpu.memory_space<hbm>>
      %dma_wait3A_22 = tpu.memref_squeeze %dma_wait3A_21 : memref<1x80x128xi32, #tpu.memory_space<hbm>> -> memref<80x128xi32, #tpu.memory_space<hbm>>
      %dma_wait3A_23 = arith.constant 0 : i32
      %dma_wait3A_24 = arith.constant 0 : i32
      %dma_wait3A_25 = tpu.memref_slice %arg3[%add3A, %dma_wait3A_23, %dma_wait3A_24] : memref<32x80x128xi32, #tpu.memory_space<hbm>> -> memref<1x80x128xi32, #tpu.memory_space<hbm>>
      %dma_wait3A_26 = tpu.memref_squeeze %dma_wait3A_25 : memref<1x80x128xi32, #tpu.memory_space<hbm>> -> memref<80x128xi32, #tpu.memory_space<hbm>>
      tpu.wait_dma2 semaphore(%run_scoped3A : memref<!tpu.dma_semaphore, #tpu.memory_space<semaphore_mem>>) src(%dma_wait3A_26 : memref<80x128xi32, #tpu.memory_space<hbm>>) dst(%arg10 : memref<80x128xi32, #tpu.memory_space<vmem>>)
      tpu.yield
    }) : () -> ()
    "tpu.region"() ({
      %run_scoped3A = tpu.sem_alloc : memref<!tpu.dma_semaphore, #tpu.memory_space<semaphore_mem>>
      %dma_start3A = arith.constant 0 : i32
      %dma_start3A_13 = arith.constant 0 : i32
      %dma_start3A_14 = tpu.memref_slice %arg4[%add3A, %dma_start3A, %dma_start3A_13] : memref<32x80x128xi32, #tpu.memory_space<hbm>> -> memref<1x80x128xi32, #tpu.memory_space<hbm>>
      %dma_start3A_15 = tpu.memref_squeeze %dma_start3A_14 : memref<1x80x128xi32, #tpu.memory_space<hbm>> -> memref<80x128xi32, #tpu.memory_space<hbm>>
      %dma_start3A_16 = arith.constant 0 : i32
      %dma_start3A_17 = arith.constant 0 : i32
      %dma_start3A_18 = tpu.memref_slice %arg4[%add3A, %dma_start3A_16, %dma_start3A_17] : memref<32x80x128xi32, #tpu.memory_space<hbm>> -> memref<1x80x128xi32, #tpu.memory_space<hbm>>
      %dma_start3A_19 = tpu.memref_squeeze %dma_start3A_18 : memref<1x80x128xi32, #tpu.memory_space<hbm>> -> memref<80x128xi32, #tpu.memory_space<hbm>>
      tpu.enqueue_dma source(%dma_start3A_19 : memref<80x128xi32, #tpu.memory_space<hbm>>) target(%arg11 : memref<80x128xi32, #tpu.memory_space<vmem>>) target_semaphore(%run_scoped3A : memref<!tpu.dma_semaphore, #tpu.memory_space<semaphore_mem>>)
      %dma_wait3A = arith.constant 0 : i32
      %dma_wait3A_20 = arith.constant 0 : i32
      %dma_wait3A_21 = tpu.memref_slice %arg4[%add3A, %dma_wait3A, %dma_wait3A_20] : memref<32x80x128xi32, #tpu.memory_space<hbm>> -> memref<1x80x128xi32, #tpu.memory_space<hbm>>
      %dma_wait3A_22 = tpu.memref_squeeze %dma_wait3A_21 : memref<1x80x128xi32, #tpu.memory_space<hbm>> -> memref<80x128xi32, #tpu.memory_space<hbm>>
      %dma_wait3A_23 = arith.constant 0 : i32
      %dma_wait3A_24 = arith.constant 0 : i32
      %dma_wait3A_25 = tpu.memref_slice %arg4[%add3A, %dma_wait3A_23, %dma_wait3A_24] : memref<32x80x128xi32, #tpu.memory_space<hbm>> -> memref<1x80x128xi32, #tpu.memory_space<hbm>>
      %dma_wait3A_26 = tpu.memref_squeeze %dma_wait3A_25 : memref<1x80x128xi32, #tpu.memory_space<hbm>> -> memref<80x128xi32, #tpu.memory_space<hbm>>
      tpu.wait_dma2 semaphore(%run_scoped3A : memref<!tpu.dma_semaphore, #tpu.memory_space<semaphore_mem>>) src(%dma_wait3A_26 : memref<80x128xi32, #tpu.memory_space<hbm>>) dst(%arg11 : memref<80x128xi32, #tpu.memory_space<vmem>>)
      tpu.yield
    }) : () -> ()
    %barrier3A = arith.constant 0 : index
    tpu.barrier barrier_id(%barrier3A)
    %scan3A = arith.constant 0 : i32
    %scan3A_7 = arith.constant 0 : i32
    %scan3A_8 = arith.constant 40 : i32
    %scan3A_9 = arith.addi %scan3A_7, %scan3A_8 : i32
    %scan3A_10 = arith.constant 1 : i32
    scf.for %scan3A_13 = %scan3A_7 to %scan3A_9 step %scan3A_10  : i32 {
      %mul3A_14 = arith.constant 2 : i32
      %mul3A_15 = arith.muli %mul3A_14, %scan3A_13 : i32
      %add3A_16 = arith.constant 1 : i32
      %add3A_17 = arith.addi %mul3A_15, %add3A_16 : i32
      %dma_start3A = arith.constant 0 : i32
      %dma_start3A_18 = tpu.memref_slice %arg10[%mul3A_15, %dma_start3A] : memref<80x128xi32, #tpu.memory_space<vmem>> -> memref<1x128xi32, #tpu.memory_space<vmem>>
      %dma_start3A_19 = tpu.memref_squeeze %dma_start3A_18 : memref<1x128xi32, #tpu.memory_space<vmem>> -> memref<128xi32, #tpu.memory_space<vmem>>
      %dma_start3A_20 = arith.constant 0 : i32
      %dma_start3A_21 = arith.constant 0 : i32
      %dma_start3A_22 = tpu.memref_slice %arg15[%dma_start3A_20, %dma_start3A_21] : memref<10000x64xf32, #tpu.memory_space<vmem_shared>> -> memref<10000x64xf32, #tpu.memory_space<vmem_shared>>
      tpu.enqueue_indirect_dma source(%dma_start3A_22 : memref<10000x64xf32, #tpu.memory_space<vmem_shared>>) target(%arg12 : memref<128x64xf32, #tpu.memory_space<vmem>>) offsets(%dma_start3A_19 : memref<128xi32, #tpu.memory_space<vmem>>) semaphore(%arg18 : memref<!tpu.dma_semaphore, #tpu.memory_space<semaphore_mem>>)
      %dma_start3A_23 = arith.constant 0 : i32
      %dma_start3A_24 = tpu.memref_slice %arg10[%add3A_17, %dma_start3A_23] : memref<80x128xi32, #tpu.memory_space<vmem>> -> memref<1x128xi32, #tpu.memory_space<vmem>>
      %dma_start3A_25 = tpu.memref_squeeze %dma_start3A_24 : memref<1x128xi32, #tpu.memory_space<vmem>> -> memref<128xi32, #tpu.memory_space<vmem>>
      %dma_start3A_26 = arith.constant 0 : i32
      %dma_start3A_27 = arith.constant 0 : i32
      %dma_start3A_28 = tpu.memref_slice %arg15[%dma_start3A_26, %dma_start3A_27] : memref<10000x64xf32, #tpu.memory_space<vmem_shared>> -> memref<10000x64xf32, #tpu.memory_space<vmem_shared>>
      tpu.enqueue_indirect_dma source(%dma_start3A_28 : memref<10000x64xf32, #tpu.memory_space<vmem_shared>>) target(%arg13 : memref<128x64xf32, #tpu.memory_space<vmem>>) offsets(%dma_start3A_25 : memref<128xi32, #tpu.memory_space<vmem>>) semaphore(%arg19 : memref<!tpu.dma_semaphore, #tpu.memory_space<semaphore_mem>>)
      %dma_wait3A = arith.constant 0 : i32
      %dma_wait3A_29 = tpu.memref_slice %arg10[%mul3A_15, %dma_wait3A] : memref<80x128xi32, #tpu.memory_space<vmem>> -> memref<1x128xi32, #tpu.memory_space<vmem>>
      %dma_wait3A_30 = tpu.memref_squeeze %dma_wait3A_29 : memref<1x128xi32, #tpu.memory_space<vmem>> -> memref<128xi32, #tpu.memory_space<vmem>>
      %dma_wait3A_31 = arith.constant 0 : i32
      %dma_wait3A_32 = arith.constant 0 : i32
      %dma_wait3A_33 = tpu.memref_slice %arg15[%dma_wait3A_31, %dma_wait3A_32] : memref<10000x64xf32, #tpu.memory_space<vmem_shared>> -> memref<10000x64xf32, #tpu.memory_space<vmem_shared>>
      tpu.wait_indirect_dma semaphore(%arg18 : memref<!tpu.dma_semaphore, #tpu.memory_space<semaphore_mem>>) src(%dma_wait3A_33 : memref<10000x64xf32, #tpu.memory_space<vmem_shared>>) dst(%arg12 : memref<128x64xf32, #tpu.memory_space<vmem>>)
      %dma_start3A_34 = arith.constant 0 : i32
      %dma_start3A_35 = tpu.memref_slice %arg11[%mul3A_15, %dma_start3A_34] : memref<80x128xi32, #tpu.memory_space<vmem>> -> memref<1x128xi32, #tpu.memory_space<vmem>>
      %dma_start3A_36 = tpu.memref_squeeze %dma_start3A_35 : memref<1x128xi32, #tpu.memory_space<vmem>> -> memref<128xi32, #tpu.memory_space<vmem>>
      %dma_start3A_37 = arith.constant 0 : i32
      %dma_start3A_38 = arith.constant 0 : i32
      %dma_start3A_39 = tpu.memref_slice %arg16[%dma_start3A_37, %dma_start3A_38] : memref<10112x64xf32, #tpu.memory_space<vmem_shared>> -> memref<10112x64xf32, #tpu.memory_space<vmem_shared>>
      tpu.enqueue_indirect_dma source(%arg12 : memref<128x64xf32, #tpu.memory_space<vmem>>) target(%dma_start3A_39 : memref<10112x64xf32, #tpu.memory_space<vmem_shared>>) offsets(%dma_start3A_36 : memref<128xi32, #tpu.memory_space<vmem>>) semaphore(%arg20 : memref<!tpu.dma_semaphore, #tpu.memory_space<semaphore_mem>>) {add = true}
      "tpu.region"() ({
        %run_scoped3A = tpu.sem_alloc : memref<!tpu.dma_semaphore, #tpu.memory_space<semaphore_mem>>
        %dma_start3A_64 = arith.constant 0 : i32
        %dma_start3A_65 = tpu.memref_slice %arg11[%mul3A_15, %dma_start3A_64] : memref<80x128xi32, #tpu.memory_space<vmem>> -> memref<1x128xi32, #tpu.memory_space<vmem>>
        %dma_start3A_66 = tpu.memref_squeeze %dma_start3A_65 : memref<1x128xi32, #tpu.memory_space<vmem>> -> memref<128xi32, #tpu.memory_space<vmem>>
        %dma_start3A_67 = arith.constant 0 : i32
        %dma_start3A_68 = arith.constant 0 : i32
        %dma_start3A_69 = tpu.memref_slice %arg17[%dma_start3A_67, %dma_start3A_68] : memref<10112x16xf32, #tpu.memory_space<vmem_shared>> -> memref<10112x16xf32, #tpu.memory_space<vmem_shared>>
        tpu.enqueue_indirect_dma source(%arg14 : memref<128x16xf32, #tpu.memory_space<vmem>>) target(%dma_start3A_69 : memref<10112x16xf32, #tpu.memory_space<vmem_shared>>) offsets(%dma_start3A_66 : memref<128xi32, #tpu.memory_space<vmem>>) semaphore(%run_scoped3A : memref<!tpu.dma_semaphore, #tpu.memory_space<semaphore_mem>>) {add = true}
        %dma_wait3A_70 = arith.constant 0 : i32
        %dma_wait3A_71 = tpu.memref_slice %arg11[%mul3A_15, %dma_wait3A_70] : memref<80x128xi32, #tpu.memory_space<vmem>> -> memref<1x128xi32, #tpu.memory_space<vmem>>
        %dma_wait3A_72 = tpu.memref_squeeze %dma_wait3A_71 : memref<1x128xi32, #tpu.memory_space<vmem>> -> memref<128xi32, #tpu.memory_space<vmem>>
        %dma_wait3A_73 = arith.constant 0 : i32
        %dma_wait3A_74 = arith.constant 0 : i32
        %dma_wait3A_75 = tpu.memref_slice %arg17[%dma_wait3A_73, %dma_wait3A_74] : memref<10112x16xf32, #tpu.memory_space<vmem_shared>> -> memref<10112x16xf32, #tpu.memory_space<vmem_shared>>
        tpu.wait_indirect_dma semaphore(%run_scoped3A : memref<!tpu.dma_semaphore, #tpu.memory_space<semaphore_mem>>) src(%arg14 : memref<128x16xf32, #tpu.memory_space<vmem>>) dst(%dma_wait3A_75 : memref<10112x16xf32, #tpu.memory_space<vmem_shared>>)
        tpu.yield
      }) : () -> ()
      %dma_wait3A_40 = arith.constant 0 : i32
      %dma_wait3A_41 = tpu.memref_slice %arg10[%add3A_17, %dma_wait3A_40] : memref<80x128xi32, #tpu.memory_space<vmem>> -> memref<1x128xi32, #tpu.memory_space<vmem>>
      %dma_wait3A_42 = tpu.memref_squeeze %dma_wait3A_41 : memref<1x128xi32, #tpu.memory_space<vmem>> -> memref<128xi32, #tpu.memory_space<vmem>>
      %dma_wait3A_43 = arith.constant 0 : i32
      %dma_wait3A_44 = arith.constant 0 : i32
      %dma_wait3A_45 = tpu.memref_slice %arg15[%dma_wait3A_43, %dma_wait3A_44] : memref<10000x64xf32, #tpu.memory_space<vmem_shared>> -> memref<10000x64xf32, #tpu.memory_space<vmem_shared>>
      tpu.wait_indirect_dma semaphore(%arg19 : memref<!tpu.dma_semaphore, #tpu.memory_space<semaphore_mem>>) src(%dma_wait3A_45 : memref<10000x64xf32, #tpu.memory_space<vmem_shared>>) dst(%arg13 : memref<128x64xf32, #tpu.memory_space<vmem>>)
      %dma_start3A_46 = arith.constant 0 : i32
      %dma_start3A_47 = tpu.memref_slice %arg11[%add3A_17, %dma_start3A_46] : memref<80x128xi32, #tpu.memory_space<vmem>> -> memref<1x128xi32, #tpu.memory_space<vmem>>
      %dma_start3A_48 = tpu.memref_squeeze %dma_start3A_47 : memref<1x128xi32, #tpu.memory_space<vmem>> -> memref<128xi32, #tpu.memory_space<vmem>>
      %dma_start3A_49 = arith.constant 0 : i32
      %dma_start3A_50 = arith.constant 0 : i32
      %dma_start3A_51 = tpu.memref_slice %arg16[%dma_start3A_49, %dma_start3A_50] : memref<10112x64xf32, #tpu.memory_space<vmem_shared>> -> memref<10112x64xf32, #tpu.memory_space<vmem_shared>>
      tpu.enqueue_indirect_dma source(%arg13 : memref<128x64xf32, #tpu.memory_space<vmem>>) target(%dma_start3A_51 : memref<10112x64xf32, #tpu.memory_space<vmem_shared>>) offsets(%dma_start3A_48 : memref<128xi32, #tpu.memory_space<vmem>>) semaphore(%arg21 : memref<!tpu.dma_semaphore, #tpu.memory_space<semaphore_mem>>) {add = true}
      "tpu.region"() ({
        %run_scoped3A = tpu.sem_alloc : memref<!tpu.dma_semaphore, #tpu.memory_space<semaphore_mem>>
        %dma_start3A_64 = arith.constant 0 : i32
        %dma_start3A_65 = tpu.memref_slice %arg11[%add3A_17, %dma_start3A_64] : memref<80x128xi32, #tpu.memory_space<vmem>> -> memref<1x128xi32, #tpu.memory_space<vmem>>
        %dma_start3A_66 = tpu.memref_squeeze %dma_start3A_65 : memref<1x128xi32, #tpu.memory_space<vmem>> -> memref<128xi32, #tpu.memory_space<vmem>>
        %dma_start3A_67 = arith.constant 0 : i32
        %dma_start3A_68 = arith.constant 0 : i32
        %dma_start3A_69 = tpu.memref_slice %arg17[%dma_start3A_67, %dma_start3A_68] : memref<10112x16xf32, #tpu.memory_space<vmem_shared>> -> memref<10112x16xf32, #tpu.memory_space<vmem_shared>>
        tpu.enqueue_indirect_dma source(%arg14 : memref<128x16xf32, #tpu.memory_space<vmem>>) target(%dma_start3A_69 : memref<10112x16xf32, #tpu.memory_space<vmem_shared>>) offsets(%dma_start3A_66 : memref<128xi32, #tpu.memory_space<vmem>>) semaphore(%run_scoped3A : memref<!tpu.dma_semaphore, #tpu.memory_space<semaphore_mem>>) {add = true}
        %dma_wait3A_70 = arith.constant 0 : i32
        %dma_wait3A_71 = tpu.memref_slice %arg11[%add3A_17, %dma_wait3A_70] : memref<80x128xi32, #tpu.memory_space<vmem>> -> memref<1x128xi32, #tpu.memory_space<vmem>>
        %dma_wait3A_72 = tpu.memref_squeeze %dma_wait3A_71 : memref<1x128xi32, #tpu.memory_space<vmem>> -> memref<128xi32, #tpu.memory_space<vmem>>
        %dma_wait3A_73 = arith.constant 0 : i32
        %dma_wait3A_74 = arith.constant 0 : i32
        %dma_wait3A_75 = tpu.memref_slice %arg17[%dma_wait3A_73, %dma_wait3A_74] : memref<10112x16xf32, #tpu.memory_space<vmem_shared>> -> memref<10112x16xf32, #tpu.memory_space<vmem_shared>>
        tpu.wait_indirect_dma semaphore(%run_scoped3A : memref<!tpu.dma_semaphore, #tpu.memory_space<semaphore_mem>>) src(%arg14 : memref<128x16xf32, #tpu.memory_space<vmem>>) dst(%dma_wait3A_75 : memref<10112x16xf32, #tpu.memory_space<vmem_shared>>)
        tpu.yield
      }) : () -> ()
      %dma_wait3A_52 = arith.constant 0 : i32
      %dma_wait3A_53 = tpu.memref_slice %arg11[%mul3A_15, %dma_wait3A_52] : memref<80x128xi32, #tpu.memory_space<vmem>> -> memref<1x128xi32, #tpu.memory_space<vmem>>
      %dma_wait3A_54 = tpu.memref_squeeze %dma_wait3A_53 : memref<1x128xi32, #tpu.memory_space<vmem>> -> memref<128xi32, #tpu.memory_space<vmem>>
      %dma_wait3A_55 = arith.constant 0 : i32
      %dma_wait3A_56 = arith.constant 0 : i32
      %dma_wait3A_57 = tpu.memref_slice %arg16[%dma_wait3A_55, %dma_wait3A_56] : memref<10112x64xf32, #tpu.memory_space<vmem_shared>> -> memref<10112x64xf32, #tpu.memory_space<vmem_shared>>
      tpu.wait_indirect_dma semaphore(%arg20 : memref<!tpu.dma_semaphore, #tpu.memory_space<semaphore_mem>>) src(%arg12 : memref<128x64xf32, #tpu.memory_space<vmem>>) dst(%dma_wait3A_57 : memref<10112x64xf32, #tpu.memory_space<vmem_shared>>)
      %dma_wait3A_58 = arith.constant 0 : i32
      %dma_wait3A_59 = tpu.memref_slice %arg11[%add3A_17, %dma_wait3A_58] : memref<80x128xi32, #tpu.memory_space<vmem>> -> memref<1x128xi32, #tpu.memory_space<vmem>>
      %dma_wait3A_60 = tpu.memref_squeeze %dma_wait3A_59 : memref<1x128xi32, #tpu.memory_space<vmem>> -> memref<128xi32, #tpu.memory_space<vmem>>
      %dma_wait3A_61 = arith.constant 0 : i32
      %dma_wait3A_62 = arith.constant 0 : i32
      %dma_wait3A_63 = tpu.memref_slice %arg16[%dma_wait3A_61, %dma_wait3A_62] : memref<10112x64xf32, #tpu.memory_space<vmem_shared>> -> memref<10112x64xf32, #tpu.memory_space<vmem_shared>>
      tpu.wait_indirect_dma semaphore(%arg21 : memref<!tpu.dma_semaphore, #tpu.memory_space<semaphore_mem>>) src(%arg13 : memref<128x64xf32, #tpu.memory_space<vmem>>) dst(%dma_wait3A_63 : memref<10112x64xf32, #tpu.memory_space<vmem_shared>>)
    }
    %scan3A_11 = arith.constant 40 : i32
    %barrier3A_12 = arith.constant 0 : index
    tpu.barrier barrier_id(%barrier3A_12)
    "tpu.region"() ({
      %run_scoped3A = tpu.sem_alloc : memref<!tpu.dma_semaphore, #tpu.memory_space<semaphore_mem>>
      %dma_start3A = arith.constant 0 : i32
      %dma_start3A_13 = tpu.memref_slice %arg8[%arg0, %mul3A_2, %dma_start3A] : memref<2x10112x64xf32, #tpu.memory_space<hbm>> -> memref<1x632x64xf32, #tpu.memory_space<hbm>>
      %dma_start3A_14 = tpu.memref_squeeze %dma_start3A_13 : memref<1x632x64xf32, #tpu.memory_space<hbm>> -> memref<632x64xf32, #tpu.memory_space<hbm>>
      %dma_start3A_15 = arith.constant 0 : i32
      %dma_start3A_16 = tpu.memref_slice %arg16[%mul3A_2, %dma_start3A_15] : memref<10112x64xf32, #tpu.memory_space<vmem_shared>> -> memref<632x64xf32, #tpu.memory_space<vmem_shared>>
      tpu.enqueue_dma source(%dma_start3A_16 : memref<632x64xf32, #tpu.memory_space<vmem_shared>>) target(%dma_start3A_14 : memref<632x64xf32, #tpu.memory_space<hbm>>) target_semaphore(%run_scoped3A : memref<!tpu.dma_semaphore, #tpu.memory_space<semaphore_mem>>)
      %dma_wait3A = arith.constant 0 : i32
      %dma_wait3A_17 = tpu.memref_slice %arg8[%arg0, %mul3A_2, %dma_wait3A] : memref<2x10112x64xf32, #tpu.memory_space<hbm>> -> memref<1x632x64xf32, #tpu.memory_space<hbm>>
      %dma_wait3A_18 = tpu.memref_squeeze %dma_wait3A_17 : memref<1x632x64xf32, #tpu.memory_space<hbm>> -> memref<632x64xf32, #tpu.memory_space<hbm>>
      %dma_wait3A_19 = arith.constant 0 : i32
      %dma_wait3A_20 = tpu.memref_slice %arg16[%mul3A_2, %dma_wait3A_19] : memref<10112x64xf32, #tpu.memory_space<vmem_shared>> -> memref<632x64xf32, #tpu.memory_space<vmem_shared>>
      tpu.wait_dma2 semaphore(%run_scoped3A : memref<!tpu.dma_semaphore, #tpu.memory_space<semaphore_mem>>) src(%dma_wait3A_20 : memref<632x64xf32, #tpu.memory_space<vmem_shared>>) dst(%dma_wait3A_18 : memref<632x64xf32, #tpu.memory_space<hbm>>)
      tpu.yield
    }) : () -> ()
    "tpu.region"() ({
      %run_scoped3A = tpu.sem_alloc : memref<!tpu.dma_semaphore, #tpu.memory_space<semaphore_mem>>
      %dma_start3A = arith.constant 0 : i32
      %dma_start3A_13 = tpu.memref_slice %arg9[%arg0, %mul3A_2, %dma_start3A] : memref<2x10112x16xf32, #tpu.memory_space<hbm>> -> memref<1x632x16xf32, #tpu.memory_space<hbm>>
      %dma_start3A_14 = tpu.memref_squeeze %dma_start3A_13 : memref<1x632x16xf32, #tpu.memory_space<hbm>> -> memref<632x16xf32, #tpu.memory_space<hbm>>
      %dma_start3A_15 = arith.constant 0 : i32
      %dma_start3A_16 = tpu.memref_slice %arg17[%mul3A_2, %dma_start3A_15] : memref<10112x16xf32, #tpu.memory_space<vmem_shared>> -> memref<632x16xf32, #tpu.memory_space<vmem_shared>>
      tpu.enqueue_dma source(%dma_start3A_16 : memref<632x16xf32, #tpu.memory_space<vmem_shared>>) target(%dma_start3A_14 : memref<632x16xf32, #tpu.memory_space<hbm>>) target_semaphore(%run_scoped3A : memref<!tpu.dma_semaphore, #tpu.memory_space<semaphore_mem>>)
      %dma_wait3A = arith.constant 0 : i32
      %dma_wait3A_17 = tpu.memref_slice %arg9[%arg0, %mul3A_2, %dma_wait3A] : memref<2x10112x16xf32, #tpu.memory_space<hbm>> -> memref<1x632x16xf32, #tpu.memory_space<hbm>>
      %dma_wait3A_18 = tpu.memref_squeeze %dma_wait3A_17 : memref<1x632x16xf32, #tpu.memory_space<hbm>> -> memref<632x16xf32, #tpu.memory_space<hbm>>
      %dma_wait3A_19 = arith.constant 0 : i32
      %dma_wait3A_20 = tpu.memref_slice %arg17[%mul3A_2, %dma_wait3A_19] : memref<10112x16xf32, #tpu.memory_space<vmem_shared>> -> memref<632x16xf32, #tpu.memory_space<vmem_shared>>
      tpu.wait_dma2 semaphore(%run_scoped3A : memref<!tpu.dma_semaphore, #tpu.memory_space<semaphore_mem>>) src(%dma_wait3A_20 : memref<632x16xf32, #tpu.memory_space<vmem_shared>>) dst(%dma_wait3A_18 : memref<632x16xf32, #tpu.memory_space<hbm>>)
      tpu.yield
    }) : () -> ()
    return
  }
}

module attributes {stable_mosaic.version = 14 : i64} {
  func.func @_tc_in_body(%arg0: memref<10000x128xf32, #tpu.memory_space<vmem>>, %arg1: memref<128x64xf32, #tpu.memory_space<vmem>>, %arg2: memref<128x64xf32, #tpu.memory_space<vmem>>, %arg3: memref<10000x64xf32, #tpu.memory_space<vmem>>, %arg4: memref<10000x64xf32, #tpu.memory_space<vmem>>) attributes {dimension_semantics = [], scalar_prefetch = 0 : i64, scratch_operands = 0 : i64, tpu.core_type = #tpu.core_type<tc>} {
    %get3A = arith.constant 0 : index
    %get3A_0 = arith.constant 0 : index
    %get3A_1 = vector.load %arg0[%get3A, %get3A_0] : memref<10000x128xf32, #tpu.memory_space<vmem>>, vector<10000x128xf32>
    %get3A_2 = arith.constant 0 : index
    %get3A_3 = arith.constant 0 : index
    %get3A_4 = vector.load %arg1[%get3A_2, %get3A_3] : memref<128x64xf32, #tpu.memory_space<vmem>>, vector<128x64xf32>
    %dot_general3A = arith.constant dense<0.000000e+00> : vector<10000x64xf32>
    %dot_general3A_5 = tpu.matmul %get3A_1, %get3A_4, %dot_general3A {dimension_numbers = #tpu.dot_dimension_numbers<[1], [0], [0], [1], [0, 0, 1, 1], [], []>, transpose_lhs_hint = false} : vector<10000x128xf32>, vector<128x64xf32>, vector<10000x64xf32> -> vector<10000x64xf32>
    %swap3A = arith.constant 0 : index
    %swap3A_6 = arith.constant 0 : index
    %swap3A_7 = vector.load %arg3[%swap3A, %swap3A_6] : memref<10000x64xf32, #tpu.memory_space<vmem>>, vector<10000x64xf32>
    tpu.vector_store %arg3[%swap3A, %swap3A_6], %dot_general3A_5 {strides = array<i32>} : memref<10000x64xf32, #tpu.memory_space<vmem>>, vector<10000x64xf32>,
    %get3A_8 = arith.constant 0 : index
    %get3A_9 = arith.constant 0 : index
    %get3A_10 = vector.load %arg2[%get3A_8, %get3A_9] : memref<128x64xf32, #tpu.memory_space<vmem>>, vector<128x64xf32>
    %dot_general3A_11 = arith.constant dense<0.000000e+00> : vector<10000x64xf32>
    %dot_general3A_12 = tpu.matmul %get3A_1, %get3A_10, %dot_general3A_11 {dimension_numbers = #tpu.dot_dimension_numbers<[1], [0], [0], [1], [0, 0, 1, 1], [], []>, transpose_lhs_hint = false} : vector<10000x128xf32>, vector<128x64xf32>, vector<10000x64xf32> -> vector<10000x64xf32>
    %swap3A_13 = arith.constant 0 : index
    %swap3A_14 = arith.constant 0 : index
    %swap3A_15 = vector.load %arg4[%swap3A_13, %swap3A_14] : memref<10000x64xf32, #tpu.memory_space<vmem>>, vector<10000x64xf32>
    tpu.vector_store %arg4[%swap3A_13, %swap3A_14], %dot_general3A_12 {strides = array<i32>} : memref<10000x64xf32, #tpu.memory_space<vmem>>, vector<10000x64xf32>,
    return
  }
}

module attributes {stable_mosaic.version = 14 : i64} {
  func.func @_tc_mid_body(%arg0: memref<2x10112x64xf32, #tpu.memory_space<vmem>>, %arg1: memref<2x10112x16xf32, #tpu.memory_space<vmem>>, %arg2: memref<10000x64xf32, #tpu.memory_space<vmem>>, %arg3: memref<1x64xf32, #tpu.memory_space<vmem>>, %arg4: memref<64x64xf32, #tpu.memory_space<vmem>>, %arg5: memref<64x64xf32, #tpu.memory_space<vmem>>, %arg6: memref<10000x64xf32, #tpu.memory_space<vmem>>, %arg7: memref<10000x64xf32, #tpu.memory_space<vmem>>) attributes {dimension_semantics = [], scalar_prefetch = 0 : i64, scratch_operands = 0 : i64, tpu.core_type = #tpu.core_type<tc>} {
    %get3A = arith.constant 0 : index
    %get3A_0 = arith.constant 0 : index
    %get3A_1 = arith.constant 0 : index
    %get3A_2 = vector.load %arg1[%get3A, %get3A_0, %get3A_1] : memref<2x10112x16xf32, #tpu.memory_space<vmem>>, vector<1x10000x1xf32>
    %get3A_3 = vector.shape_cast %get3A_2 : vector<1x10000x1xf32> to vector<10000x1xf32>
    %get3A_4 = arith.constant 1 : index
    %get3A_5 = arith.constant 0 : index
    %get3A_6 = arith.constant 0 : index
    %get3A_7 = vector.load %arg1[%get3A_4, %get3A_5, %get3A_6] : memref<2x10112x16xf32, #tpu.memory_space<vmem>>, vector<1x10000x1xf32>
    %get3A_8 = vector.shape_cast %get3A_7 : vector<1x10000x1xf32> to vector<10000x1xf32>
    %add3A = arith.addf %get3A_3, %get3A_8 : vector<10000x1xf32>
    %max3A = arith.constant 1.000000e+00 : f32
    %max3A_9 = vector.broadcast %max3A : f32 to vector<10000x1xf32>
    %max3A_10 = arith.maximumf %add3A, %max3A_9 : vector<10000x1xf32>
    %div3A = arith.constant 1.000000e+00 : f32
    %div3A_11 = vector.broadcast %div3A : f32 to vector<10000x1xf32>
    %div3A_12 = arith.divf %div3A_11, %max3A_10 : vector<10000x1xf32>
    %get3A_13 = arith.constant 0 : index
    %get3A_14 = arith.constant 0 : index
    %get3A_15 = arith.constant 0 : index
    %get3A_16 = vector.load %arg0[%get3A_13, %get3A_14, %get3A_15] : memref<2x10112x64xf32, #tpu.memory_space<vmem>>, vector<1x10000x64xf32>
    %get3A_17 = vector.shape_cast %get3A_16 : vector<1x10000x64xf32> to vector<10000x64xf32>
    %get3A_18 = arith.constant 1 : index
    %get3A_19 = arith.constant 0 : index
    %get3A_20 = arith.constant 0 : index
    %get3A_21 = vector.load %arg0[%get3A_18, %get3A_19, %get3A_20] : memref<2x10112x64xf32, #tpu.memory_space<vmem>>, vector<1x10000x64xf32>
    %get3A_22 = vector.shape_cast %get3A_21 : vector<1x10000x64xf32> to vector<10000x64xf32>
    %add3A_23 = arith.addf %get3A_17, %get3A_22 : vector<10000x64xf32>
    %mul3A = vector.broadcast %div3A_12 : vector<10000x1xf32> to vector<10000x64xf32>
    %mul3A_24 = arith.mulf %add3A_23, %mul3A : vector<10000x64xf32>
    %get3A_25 = arith.constant 0 : index
    %get3A_26 = arith.constant 0 : index
    %get3A_27 = vector.load %arg3[%get3A_25, %get3A_26] : memref<1x64xf32, #tpu.memory_space<vmem>>, vector<1x64xf32>
    %add3A_28 = vector.broadcast %get3A_27 : vector<1x64xf32> to vector<10000x64xf32>
    %add3A_29 = arith.addf %mul3A_24, %add3A_28 : vector<10000x64xf32>
    %get3A_30 = arith.constant 0 : index
    %get3A_31 = arith.constant 0 : index
    %get3A_32 = vector.load %arg2[%get3A_30, %get3A_31] : memref<10000x64xf32, #tpu.memory_space<vmem>>, vector<10000x64xf32>
    %add3A_33 = arith.addf %add3A_29, %get3A_32 : vector<10000x64xf32>
    %max3A_34 = arith.constant 0.000000e+00 : f32
    %max3A_35 = vector.broadcast %max3A_34 : f32 to vector<10000x64xf32>
    %max3A_36 = arith.maximumf %add3A_33, %max3A_35 : vector<10000x64xf32>
    %get3A_37 = arith.constant 0 : index
    %get3A_38 = arith.constant 0 : index
    %get3A_39 = vector.load %arg4[%get3A_37, %get3A_38] : memref<64x64xf32, #tpu.memory_space<vmem>>, vector<64x64xf32>
    %dot_general3A = arith.constant dense<0.000000e+00> : vector<10000x64xf32>
    %dot_general3A_40 = tpu.matmul %max3A_36, %get3A_39, %dot_general3A {dimension_numbers = #tpu.dot_dimension_numbers<[1], [0], [0], [1], [0, 0, 1, 1], [], []>, transpose_lhs_hint = false} : vector<10000x64xf32>, vector<64x64xf32>, vector<10000x64xf32> -> vector<10000x64xf32>
    %swap3A = arith.constant 0 : index
    %swap3A_41 = arith.constant 0 : index
    %swap3A_42 = vector.load %arg6[%swap3A, %swap3A_41] : memref<10000x64xf32, #tpu.memory_space<vmem>>, vector<10000x64xf32>
    tpu.vector_store %arg6[%swap3A, %swap3A_41], %dot_general3A_40 {strides = array<i32>} : memref<10000x64xf32, #tpu.memory_space<vmem>>, vector<10000x64xf32>,
    %get3A_43 = arith.constant 0 : index
    %get3A_44 = arith.constant 0 : index
    %get3A_45 = vector.load %arg5[%get3A_43, %get3A_44] : memref<64x64xf32, #tpu.memory_space<vmem>>, vector<64x64xf32>
    %dot_general3A_46 = arith.constant dense<0.000000e+00> : vector<10000x64xf32>
    %dot_general3A_47 = tpu.matmul %max3A_36, %get3A_45, %dot_general3A_46 {dimension_numbers = #tpu.dot_dimension_numbers<[1], [0], [0], [1], [0, 0, 1, 1], [], []>, transpose_lhs_hint = false} : vector<10000x64xf32>, vector<64x64xf32>, vector<10000x64xf32> -> vector<10000x64xf32>
    %swap3A_48 = arith.constant 0 : index
    %swap3A_49 = arith.constant 0 : index
    %swap3A_50 = vector.load %arg7[%swap3A_48, %swap3A_49] : memref<10000x64xf32, #tpu.memory_space<vmem>>, vector<10000x64xf32>
    tpu.vector_store %arg7[%swap3A_48, %swap3A_49], %dot_general3A_47 {strides = array<i32>} : memref<10000x64xf32, #tpu.memory_space<vmem>>, vector<10000x64xf32>,
    return
  }
}

module attributes {stable_mosaic.version = 14 : i64} {
  func.func @_tc_out_body(%arg0: memref<2x10112x64xf32, #tpu.memory_space<vmem>>, %arg1: memref<2x10112x16xf32, #tpu.memory_space<vmem>>, %arg2: memref<10000x64xf32, #tpu.memory_space<vmem>>, %arg3: memref<1x64xf32, #tpu.memory_space<vmem>>, %arg4: memref<64x5xf32, #tpu.memory_space<vmem>>, %arg5: memref<1x5xf32, #tpu.memory_space<vmem>>, %arg6: memref<10000x64xf32, #tpu.memory_space<vmem>>, %arg7: memref<10000x5xf32, #tpu.memory_space<vmem>>) attributes {dimension_semantics = [], scalar_prefetch = 0 : i64, scratch_operands = 0 : i64, tpu.core_type = #tpu.core_type<tc>} {
    %get3A = arith.constant 0 : index
    %get3A_0 = arith.constant 0 : index
    %get3A_1 = arith.constant 0 : index
    %get3A_2 = vector.load %arg1[%get3A, %get3A_0, %get3A_1] : memref<2x10112x16xf32, #tpu.memory_space<vmem>>, vector<1x10000x1xf32>
    %get3A_3 = vector.shape_cast %get3A_2 : vector<1x10000x1xf32> to vector<10000x1xf32>
    %get3A_4 = arith.constant 1 : index
    %get3A_5 = arith.constant 0 : index
    %get3A_6 = arith.constant 0 : index
    %get3A_7 = vector.load %arg1[%get3A_4, %get3A_5, %get3A_6] : memref<2x10112x16xf32, #tpu.memory_space<vmem>>, vector<1x10000x1xf32>
    %get3A_8 = vector.shape_cast %get3A_7 : vector<1x10000x1xf32> to vector<10000x1xf32>
    %add3A = arith.addf %get3A_3, %get3A_8 : vector<10000x1xf32>
    %max3A = arith.constant 1.000000e+00 : f32
    %max3A_9 = vector.broadcast %max3A : f32 to vector<10000x1xf32>
    %max3A_10 = arith.maximumf %add3A, %max3A_9 : vector<10000x1xf32>
    %div3A = arith.constant 1.000000e+00 : f32
    %div3A_11 = vector.broadcast %div3A : f32 to vector<10000x1xf32>
    %div3A_12 = arith.divf %div3A_11, %max3A_10 : vector<10000x1xf32>
    %get3A_13 = arith.constant 0 : index
    %get3A_14 = arith.constant 0 : index
    %get3A_15 = arith.constant 0 : index
    %get3A_16 = vector.load %arg0[%get3A_13, %get3A_14, %get3A_15] : memref<2x10112x64xf32, #tpu.memory_space<vmem>>, vector<1x10000x64xf32>
    %get3A_17 = vector.shape_cast %get3A_16 : vector<1x10000x64xf32> to vector<10000x64xf32>
    %get3A_18 = arith.constant 1 : index
    %get3A_19 = arith.constant 0 : index
    %get3A_20 = arith.constant 0 : index
    %get3A_21 = vector.load %arg0[%get3A_18, %get3A_19, %get3A_20] : memref<2x10112x64xf32, #tpu.memory_space<vmem>>, vector<1x10000x64xf32>
    %get3A_22 = vector.shape_cast %get3A_21 : vector<1x10000x64xf32> to vector<10000x64xf32>
    %add3A_23 = arith.addf %get3A_17, %get3A_22 : vector<10000x64xf32>
    %mul3A = vector.broadcast %div3A_12 : vector<10000x1xf32> to vector<10000x64xf32>
    %mul3A_24 = arith.mulf %add3A_23, %mul3A : vector<10000x64xf32>
    %get3A_25 = arith.constant 0 : index
    %get3A_26 = arith.constant 0 : index
    %get3A_27 = vector.load %arg3[%get3A_25, %get3A_26] : memref<1x64xf32, #tpu.memory_space<vmem>>, vector<1x64xf32>
    %add3A_28 = vector.broadcast %get3A_27 : vector<1x64xf32> to vector<10000x64xf32>
    %add3A_29 = arith.addf %mul3A_24, %add3A_28 : vector<10000x64xf32>
    %get3A_30 = arith.constant 0 : index
    %get3A_31 = arith.constant 0 : index
    %get3A_32 = vector.load %arg2[%get3A_30, %get3A_31] : memref<10000x64xf32, #tpu.memory_space<vmem>>, vector<10000x64xf32>
    %add3A_33 = arith.addf %add3A_29, %get3A_32 : vector<10000x64xf32>
    %max3A_34 = arith.constant 0.000000e+00 : f32
    %max3A_35 = vector.broadcast %max3A_34 : f32 to vector<10000x64xf32>
    %max3A_36 = arith.maximumf %add3A_33, %max3A_35 : vector<10000x64xf32>
    %swap3A = arith.constant 0 : index
    %swap3A_37 = arith.constant 0 : index
    %swap3A_38 = vector.load %arg6[%swap3A, %swap3A_37] : memref<10000x64xf32, #tpu.memory_space<vmem>>, vector<10000x64xf32>
    tpu.vector_store %arg6[%swap3A, %swap3A_37], %max3A_36 {strides = array<i32>} : memref<10000x64xf32, #tpu.memory_space<vmem>>, vector<10000x64xf32>,
    %get3A_39 = arith.constant 0 : index
    %get3A_40 = arith.constant 0 : index
    %get3A_41 = vector.load %arg4[%get3A_39, %get3A_40] : memref<64x5xf32, #tpu.memory_space<vmem>>, vector<64x5xf32>
    %dot_general3A = arith.constant dense<0.000000e+00> : vector<10000x5xf32>
    %dot_general3A_42 = tpu.matmul %max3A_36, %get3A_41, %dot_general3A {dimension_numbers = #tpu.dot_dimension_numbers<[1], [0], [0], [1], [0, 0, 1, 1], [], []>, transpose_lhs_hint = false} : vector<10000x64xf32>, vector<64x5xf32>, vector<10000x5xf32> -> vector<10000x5xf32>
    %get3A_43 = arith.constant 0 : index
    %get3A_44 = arith.constant 0 : index
    %get3A_45 = vector.load %arg5[%get3A_43, %get3A_44] : memref<1x5xf32, #tpu.memory_space<vmem>>, vector<1x5xf32>
    %add3A_46 = vector.broadcast %get3A_45 : vector<1x5xf32> to vector<10000x5xf32>
    %add3A_47 = arith.addf %dot_general3A_42, %add3A_46 : vector<10000x5xf32>
    %swap3A_48 = arith.constant 0 : index
    %swap3A_49 = arith.constant 0 : index
    %swap3A_50 = vector.load %arg7[%swap3A_48, %swap3A_49] : memref<10000x5xf32, #tpu.memory_space<vmem>>, vector<10000x5xf32>
    tpu.vector_store %arg7[%swap3A_48, %swap3A_49], %add3A_47 {strides = array<i32>} : memref<10000x5xf32, #tpu.memory_space<vmem>>, vector<10000x5xf32>,
    return
  }
}

</mosaic_0001>

<sc_bundles>
// kernel: kernel.10.cloned.1.call-start
scs
__scs_entry_jumppad:
0x0: {  	(pc) =	sbr.rel $0x88, $3  }
0x1: {  	(tag) =	ssettag $0x0;
	lr =	simm.s32 $0x1  }
0x2: {  	[smem:$0x3F97] =	sst lr;
	_ =	strace $0xD0000000  }
0x3: {  	_ = 	snop  }
0x4: {  	_ = 	snop  }
0x5: {  	_ = 	snop  }
0x6: {  	_ = 	snop  }
0x7: {  	_ = 	snop  }
__scs_overlays_trampoline_lowered:
0x8: {  	[smem:$0x3FA6] =	sst s0  }
0x9: {  	[smem:$0x3FA7] =	sst s1  }
0xa: {  	[smem:$0x3FA8] =	sst s2  }
0xb: {  	[smem:$0x3FA9] =	sst s3  }
0xc: {  	[smem:$0x3FAA] =	sst s4  }
0xd: {  	[smem:$0x3FAB] =	sst s5  }
0xe: {  	[smem:$0x3FAC] =	sst s6  }
0xf: {  	[smem:$0x3FAD] =	sst s7  }
0x10: {  	[smem:$0x3FAE] =	sst s8  }
0x11: {  	[smem:$0x3FAF] =	sst s9;
	s0 =	simm.s32 @!p0 $0x0  }
0x12: {  	s1 =	sld [smem:$0x3F95];
	s0 =	simm.s32 @p0 $0x1  }
0x13: {  	[smem:$0x3FB0] =	sst s0;
	s0 =	simm.s32 @!p1 $0x0  }
0x14: {  	s2 =	sld [smem:$0x3F94];
	s0 =	simm.s32 @p1 $0x1  }
0x15: {  	[smem:$0x3FB1] =	sst s0;
	s0 =	simm.s32 @!p2 $0x0  }
0x16: {  	s3 =	sld [smem:$0x3FDB];
	s0 =	simm.s32 @p2 $0x1  }
0x17: {  	s4 =	simm.s32 $0x1BF5;
	[smem:$0x3FB3] =	sst s0  }
0x18: {  	s0 =	sld [smem:$0x3F96];
	_ =	swait.ge [sflag:s4], $0x0  }
0x19: {  	s7 =	sld [smem:$0x3F97]  }
0x1a: {  	s8 =	sadd.s32 $0xFFFFE003, lr  }
0x1b: {  	s9 =	sadd.s32 $0xFFFFFEF7, lr;
	s5 =	simm.s32 $0xFFFFFFFF;
	p2 =	slt.u32 s8, $0xFFFFF086  }
0x1c: {  	p1 =	slt.u32 s9, $0xF7A;
	s5 =	simm.s32 @!p2 $0x0  }
0x1d: {  	s5 =	simm.s32 @p1 $0x1;
	p0 =	seq.s32 s7, s2  }
0x1e: {  	s7 =	smul.u32 @!p0 $0xF7A, s2;
	p2 =	seq.s32 @!p0 s5, $0x0  }
0x1f: {  	s9 =	smul.u32 $0xF7A, s1;
	s8 =	simm.s32 @!p0 $0x1BF5;
	p2 =	por !p2, p0  }
0x20: {  	[sflag:s8] =	ssyncset.s32 @!p0 $0xFFFFF086;
	s6 =	sadd.s32 @!p0 s3, s7;
	s7 =	simm.s32 @!p0 $0x108  }
0x21: {  	s3 =	sadd.s32 s3, s9;
	s6 =	sadd.s32 @!p0 $0x88, s6;
	s7 =	simm.s32 @p2 $0x1082  }
0x22: {  	[simem:s7], [sflag:s8] =	dma.local @!p0 [hbm:s6], $0xF7A  }
0x23: {  	s9 =	sor.u32 $0xD0000000, s2;
	s6 =	simm.s32 $0x108;
	_ =	swait.ge @!p0 [sflag:s8], $0x0  }
0x24: {  	s3 =	sadd.s32 $0x88, s3;
	s6 =	simm.s32 @!p1 $0x1082;
	[sflag:s4] =	ssyncset.s32 $0xFFFFF086  }
0x25: {  	[simem:s6], [sflag:s4] =	dma.local [hbm:s3], $0xF7A  }
0x26: {  	[smem:$0x3F97] =	sst s1;
	(tag) =	ssettag s2;
	_ =	strace s9  }
0x27: {  	s1 =	sld [smem:$0x3FA7]  }
0x28: {  	s2 =	sld [smem:$0x3FA8]  }
0x29: {  	s4 =	sld [smem:$0x3FAA]  }
0x2a: {  	p0 =	seq.s32 s5, $0x0;
	s5 =	sld [smem:$0x3FAB]  }
0x2b: {  	s6 =	sld [smem:$0x3FAC]  }
0x2c: {  	s7 =	sld [smem:$0x3FAD]  }
0x2d: {  	s3 =	simm.s32 $0x108;
	s8 =	sld [smem:$0x3FAE]  }
0x2e: {  	s3 =	simm.s32 @!p0 $0x1082;
	s9 =	sld [smem:$0x3FAF]  }
0x2f: {  	lr =	sadd.s32 s0, s3;
	s0 =	sld [smem:$0x3FA6]  }
0x30: {  	s3 =	sld [smem:$0x3FA9]  }
0x31: {  	[smem:$0x3FB2] =	sst s10  }
0x32: {  	s10 =	sld [smem:$0x3FB0];
	_ =	sdelay $0x3  }
0x33: {  	p0 =	seq.s32 s10, $0x1;
	s10 =	sld [smem:$0x3FB2];
	_ =	sdelay $0x3  }
0x34: {  	[smem:$0x3FB2] =	sst s10  }
0x35: {  	s10 =	sld [smem:$0x3FB1];
	_ =	sdelay $0x3  }
0x36: {  	p1 =	seq.s32 s10, $0x1;
	s10 =	sld [smem:$0x3FB2];
	_ =	sdelay $0x3  }
0x37: {  	[smem:$0x3FB2] =	sst s10  }
0x38: {  	s10 =	sld [smem:$0x3FB3]  }
0x39: {  	_ = 	snop;
	(pc) =	sbr.ind lr, $3  }
0x3a: {  	_ = 	snop  }
0x3b: {  	_ = 	snop  }
0x3c: {  	p2 =	seq.s32 s10, $0x1;
	s10 =	sld [smem:$0x3FB2]  }
0x3d: {  	_ =	shalt  }
0x3e: {  	_ =	shalt  }
0x3f: {  	_ =	shalt  }
0x40: {  	_ =	shalt  }
0x41: {  	_ =	shalt  }
0x42: {  	_ =	shalt  }
0x43: {  	_ =	shalt  }
0x44: {  	_ =	shalt  }
0x45: {  	_ =	shalt  }
0x46: {  	_ =	shalt  }
0x47: {  	_ =	shalt  }
0x48: {  	_ =	shalt  }
0x49: {  	_ =	shalt  }
0x4a: {  	_ =	shalt  }
0x4b: {  	_ =	shalt  }
0x4c: {  	_ =	shalt  }
0x4d: {  	_ =	shalt  }
0x4e: {  	_ =	shalt  }
0x4f: {  	_ =	shalt  }
0x50: {  	_ =	shalt  }
0x51: {  	_ =	shalt  }
0x52: {  	_ =	shalt  }
0x53: {  	_ =	shalt  }
0x54: {  	_ =	shalt  }
0x55: {  	_ =	shalt  }
0x56: {  	_ =	shalt  }
0x57: {  	_ =	shalt  }
0x58: {  	_ =	shalt  }
0x59: {  	_ =	shalt  }
0x5a: {  	_ =	shalt  }
0x5b: {  	_ =	shalt  }
0x5c: {  	_ =	shalt  }
0x5d: {  	_ =	shalt  }
0x5e: {  	_ =	shalt  }
0x5f: {  	_ =	shalt  }
0x60: {  	_ =	shalt  }
0x61: {  	_ =	shalt  }
0x62: {  	_ =	shalt  }
0x63: {  	_ =	shalt  }
0x64: {  	_ =	shalt  }
0x65: {  	_ =	shalt  }
0x66: {  	_ =	shalt  }
0x67: {  	_ =	shalt  }
0x68: {  	_ =	shalt  }
0x69: {  	_ =	shalt  }
0x6a: {  	_ =	shalt  }
0x6b: {  	_ =	shalt  }
0x6c: {  	_ =	shalt  }
0x6d: {  	_ =	shalt  }
0x6e: {  	_ =	shalt  }
0x6f: {  	_ =	shalt  }
0x70: {  	_ =	shalt  }
0x71: {  	_ =	shalt  }
0x72: {  	_ =	shalt  }
0x73: {  	_ =	shalt  }
0x74: {  	_ =	shalt  }
0x75: {  	_ =	shalt  }
0x76: {  	_ =	shalt  }
0x77: {  	_ =	shalt  }
0x78: {  	_ =	shalt  }
0x79: {  	_ =	shalt  }
0x7a: {  	_ =	shalt  }
0x7b: {  	_ =	shalt  }
0x7c: {  	_ =	shalt  }
0x7d: {  	_ =	shalt  }
0x7e: {  	_ =	shalt  }
0x7f: {  	_ =	shalt  }
0x80: {  	_ =	shalt  }
0x81: {  	_ =	shalt  }
0x82: {  	_ =	shalt  }
0x83: {  	_ =	shalt  }
0x84: {  	_ =	shalt  }
0x85: {  	_ =	shalt  }
0x86: {  	_ =	shalt  }
0x87: {  	_ =	shalt  }
.Lfunc_end0:
.L_simem_size_0:
called_computation.1_lowered:
.L_overlay_start_0:
0x88: {  	s2 =	sld [smem:$0x3FD9]  }
0x89: {  	s3 =	sld [smem:$0x3FFE];
	_ =	sdelay $0x1  }
0x8a: {  	s1 =	srdreg.scid  }
0x8b: {  	s0 =	sand.u32 $0x1, s1  }
0x8c: {  	s14 =	sshll.u32 s0, $0xA;
	s2 =	sadd.s32 s3, s2  }
0x8d: {  	s2 =	sadd.s32 s2, s14  }
0x8e: {  	[smem:$0x3FBE] =	sst s2  }
0x8f: {  	_ = 	snop  }
0x90: {  	s2 =	sld [smem:$0x3FD0];
	_ =	sdelay $0x2  }
0x91: {  	s15 =	simm.s32 $0xA;
	s4 =	simm.s32 $0x10  }
0x92: {  	[smem:s4], [sflag:s15] =	dma.local [hbm:s2], $0x1  }
0x93: {  	_ =	swait.eq [sflag:s15], $0x1  }
0x94: {  	[sflag:s15] =	ssyncset.done $0x0  }
0x95: {  	s16 =	sld [smem:$0x10];
	[sflag:s15] =	ssyncadd.s32 $0xFFFFFFFF  }
0x96: {  	s17 =	sld [smem:$0x11];
	(tm) =	ssettm $0x1  }
0x97: {  	s18 =	sld [smem:$0x3FFB];
	_ =	sdelay $0x3  }
0x98: {  	_ =	strace s18  }
0x99: {  	s4 =	sld [smem:$0x3FFC];
	_ =	sdelay $0x3  }
0x9a: {  	_ =	strace s4  }
0x9b: {  	s4 =	sld [smem:$0x3FFD];
	_ =	sdelay $0x3  }
0x9c: {  	_ =	strace s4  }
0x9d: {  	_ =	strace $0x8FFFFFFF  }
0x9e: {  	s19 =	sld [smem:$0x3FDB];
	_ =	sdelay $0x1  }
0x9f: {  	s5 =	simm.s32 $_scs_section_size  }
0xa0: {  	s6 =	simm.s32 $_size__tile_overlayer_lowered;
	s7 =	simm.s32 $_tile_overlayer_lowered  }
0xa1: {  	s22 =	simm.s32 $0x1BFF;
	s21 =	sshll.u32 s7, $0x1;
	s4 =	sadd.s32 s5, s19  }
0xa2: {  	s8 =	simm.s32 $0x0;
	s20 =	sshll.u32 s6, $0x1;
	s6 =	sadd.s32 s21, s4  }
0xa3: {  	[timem:s8], [sflag:s22] =	dma.local [hbm:s6], s20  }
0xa4: {  	_ =	swait.ge [sflag:s22], s20  }
0xa5: {  	s5 =	ssub.s32 $0x0, s20;
	[sflag:s22] =	ssyncset.done $0x0  }
0xa6: {  	[sflag:s22] =	ssyncadd.s32 s5;
	_ =	sdelay $0x1  }
0xa7: {  	s23 =	simm.s32 $0x1B8B  }
0xa8: {  	_ =	swait.ge [sflag:s23], $0x1  }
0xa9: {  	[sflag:s23] =	ssyncset.done $0x0  }
0xaa: {  	s25 =	simm.s32 $0x1B8E;
	s24 =	sld [smem:$0x3FFE];
	[sflag:s23] =	ssyncadd.s32 $0xFFFFFFFF  }
0xab: {  	s26 =	simm.s32 $execute0_lowered;
	[smem:$0x3FD2] =	sst s25  }
0xac: {  	s6 =	sshll.u32 s26, $0x1;
	_ =	strace $0x80000049;
	[dreg:$0x1] =	wrdreg $0xFFFFFFFF  }
0xad: {  	s28 =	simm.s32 $_size_execute0_lowered;
	s4 =	sadd.s32 s4, s6;
	[dreg:$0x0] =	wrdreg $0x0  }
0xae: {  	s6 =	sshll.u32 s28, $0x1;
	[dreg:$0x2] =	wrdreg s4  }
0xaf: {  	[dreg:$0x3] =	wrdreg s6  }
0xb0: {  	[dreg:$0x4] =	wrdreg $0xC0  }
0xb1: {  	_ =	task [dreg:s8], $0x5FFFF  }
0xb2: {  	[dreg:$0x1] =	wrdreg $0xFFFFFFFF  }
0xb3: {  	[dreg:$0x0] =	wrdreg $0x60  }
0xb4: {  	[dreg:$0x2] =	wrdreg s17  }
0xb5: {  	[dreg:$0x3] =	wrdreg s24  }
0xb6: {  	[dreg:$0x4] =	wrdreg s16  }
0xb7: {  	[dreg:$0x5] =	wrdreg $0x90000  }
0xb8: {  	[dreg:$0x6] =	wrdreg $0x12C400  }
0xb9: {  	[dreg:$0x7] =	wrdreg $0x9  }
0xba: {  	_ =	task.clear_ibuf [dreg:s8], $0x8FFFF;
	_ =	strace $0x90000049  }
0xbb: {  	s29 =	simm.s32 $0x9;
	_ =	strace $0x8000004B  }
0xbc: {  	_ =	swait.ge [sflag:s29], $0x1  }
0xbd: {  	[sflag:s29] =	ssyncadd.s32 $0xFFFFFFFF  }
0xbe: {  	_ =	strace $0x9000004B  }
0xbf: {  	_ =	sfence  }
0xc0: {  	s30 =	sld [smem:$0x0];
	_ =	sdelay $0x2  }
0xc1: {  	s31 =	sshll.u32 s1, $0xD;
	s1 =	sshrl.u32 s1, $0x2  }
0xc2: {  	s3 =	sand.u32 $0x4000, s31;
	s1 =	sadd.s32 s1, s30  }
0xc3: {  	s0 =	sor.u32 s3, s0;
	s1 =	sshll.u32 s1, $0x11  }
0xc4: {  	s0 =	sor.u32 s1, s0  }
0xc5: {  	s0 =	sadd.s32 $0x8F2B, s0  }
0xc6: {  	[sflag:s0] =	ssyncadd.remote.s32 $0x1  }
0xc7: {  	_ =	sfence.sel $0xFFFF  }
0xc8: {  	[dreg:$0x0] =	wrdreg $0xFFFFFFFF;
	(pc) =	sbr.abs _section_cstart, $3  }
0xc9: {  	[dreg:$0x1] =	wrdreg $0xFFFFFFFF  }
0xca: {  	_ =	task.clear_ibuf [dreg:s8], $0x2FFFF;
	_ =	strace $0x9FFFFFFF  }
0xcb: {  	(tm) =	ssettm $0x7FFFFFFF  }
tec
execute0_lowered:
.L_overlay_start_1:
0x0: {  	(tag) =	ssettag $0x1  }
0x1: {  	s6 =	rddreg [dreg:$0x0]  }
0x2: {  	s7 =	rddreg [dreg:$0x1]  }
0x3: {  	s1 =	rddreg [dreg:$0x2]  }
0x4: {  	s3 =	rddreg [dreg:$0x3]  }
0x5: {  	s4 =	rddreg [dreg:$0x4];
	s5 =	srdreg.scid  }
0x6: {  	s0 =	rddreg [dreg:$0x5];
	s2 =	stileid.u32  }
0x7: {  	s15 =	simm.s32 $0x2800;
	s16 =	simm.s32 $0x80;
	s17 =	simm.s32 $0x5000  }
0x8: {  	s18 =	simm.s32 $0x7000;
	s19 =	simm.s32 $0x1;
	s20 =	simm.s32 $0x2  }
0x9: {  	s21 =	simm.s32 $0x3;
	s22 =	simm.s32 $0x4;
	s23 =	simm.s32 $0x0  }
0xa: {  	s8 =	sand.u32 $0x1, s5;
	s5 =	simm.s32 $0x0;
	s10 =	smul.u32 $0x9E00, s2  }
0xb: {  	s12 =	smul.u32 $0x9C40, s2;
	s31 =	sshll.u32 s2, $0x6;
	s9 =	sshll.u32 s8, $0x4  }
0xc: {  	[smem:$0x7FF] =	sst s5;
	s11 =	smul.u32 $0x9E000, s8;
	s8 =	ssub.s32 $0x2, s8  }
0xd: {  	s9 =	sor.u32 s2, s9;
	_ =	strace $0x8000004A;
	s13 =	sshrl.u32 s8, $0x1  }
0xe: {  	s30 =	sshrl.u32 s12, $0x3;
	s12 =	sadd.s32 s12, s3;
	s14 =	sadd.s32 s10, s4  }
0xf: {  	s9 =	smul.u32 $0x500, s9;
	s11 =	sadd.s32 s10, s11;
	s13 =	ssub.s32 s8, s13  }
0x10: {  	s6 =	sadd.s32 s6, s30;
	s12 =	sshrl.u32 s12, $0x3;
	s11 =	sshrl.u32 s11, $0x3  }
0x11: {  	s14 =	sshrl.u32 s14, $0x3;
	s9 =	sadd.s32 s9, s7;
	s11 =	sadd.s32 s11, s7  }
0x12: {  	s7 =	sor.u32 $0x1C05, s31;
	s8 =	sadd.s32 $0xBE00, s9;
	s9 =	sadd.s32 $0x1E00, s9  }
0x13: {  	s10 =	sadd.s32 $0x15E00, s11;
	s11 =	smax.u32 s13, $0x1;
	s13 =	simm.s32 $0x5  }
.LBB2_1:
0x14: {  	[spmem:s12], [sflag:s7] =	dma.local [hbm:s6], $0x1388  }
0x15: {  	_ =	swait.ge [sflag:s13], $0x1388  }
0x16: {  	[sflag:s13] =	ssyncset.done $0x0  }
0x17: {  	[sflag:s13] =	ssyncadd.s32 $0xFFFFEC78  }
0x18: {  	[spmem:s14], [sflag:s7] =	dma.local [hbm:s1], $0x13C0  }
0x19: {  	_ =	swait.ge [sflag:s13], $0x13C0  }
0x1a: {  	[sflag:s13] =	ssyncset.done $0x0  }
0x1b: {  	[sflag:s13] =	ssyncadd.s32 $0xFFFFEC40  }
0x1c: {  	[tilespmem:s5], [sflag:$0x5] =	stream.linear.gather [hbm4b:s8+s5], $0x2800, $0x38;
	[tilespmem:$0x1CA40] =	vst v63  }
0x1d: {  	_ =	swait.ge [sflag:s13], $0x2800  }
0x1e: {  	[sflag:s13] =	ssyncset.done $0x0  }
0x1f: {  	[sflag:s13] =	ssyncadd.s32 $0xFFFFD800  }
0x20: {  	[tilespmem:s15], [sflag:$0x5] =	stream.linear.gather [hbm4b:s9+s5], $0x2800, $0x38;
	[tilespmem:$0x1CA40] =	vst v63  }
0x21: {  	_ =	swait.ge [sflag:s13], $0x2800  }
0x22: {  	[sflag:s13] =	ssyncset.done $0x0  }
0x23: {  	[sflag:s13] =	ssyncadd.s32 $0xFFFFD800  }
0x24: {  	s24 =	simm.s32 $0x0;
	[bflag:$0x0] =	sbarrier.arrive $0xFFFF  }
0x25: {  	[tilespmem:s17], [sflag:$0x1] =	stream.indirect.gather [spmem:s3], $0x40, s24, s16, $0xb8;
	[tilespmem:$0x1CA40] =	vst v63  }
0x26: {  	s29 =	simm.s32 $0x80  }
0x27: {  	[tilespmem:s18], [sflag:$0x2] =	stream.indirect.gather [spmem:s3], $0x40, s29, s16, $0xb8;
	[tilespmem:$0x1CA40] =	vst v63  }
0x28: {  	_ =	swait.ge [sflag:s19], $0x2000  }
0x29: {  	[sflag:s19] =	ssyncset.done $0x0  }
0x2a: {  	s30 =	simm.s32 $0x2800;
	[sflag:s19] =	ssyncadd.s32 $0xFFFFE000  }
0x2b: {  	[spmem:s4] =	stream.indirect.scatter.add.f32 [tilespmem:s17], [sflag:$0x3], $0x40, s30, s16, $0xb8;
	[tilespmem:$0x1CA40] =	vst v63  }
0x2c: {  	_ =	swait.ge [sflag:s20], $0x2000  }
0x2d: {  	[sflag:s20] =	ssyncset.done $0x0  }
0x2e: {  	s31 =	simm.s32 $0x2880;
	[sflag:s20] =	ssyncadd.s32 $0xFFFFE000  }
0x2f: {  	[spmem:s4] =	stream.indirect.scatter.add.f32 [tilespmem:s18], [sflag:$0x4], $0x40, s31, s16, $0xb8;
	[tilespmem:$0x1CA40] =	vst v63  }
0x30: {  	_ =	swait.ge [sflag:s21], $0x2000  }
0x31: {  	[sflag:s21] =	ssyncset.done $0x0  }
0x32: {  	[sflag:s21] =	ssyncadd.s32 $0xFFFFE000  }
0x33: {  	_ =	swait.ge [sflag:s22], $0x2000  }
0x34: {  	s25 =	simm.s32 $0x800;
	s24 =	simm.s32 $0x400;
	[sflag:s22] =	ssyncset.done $0x0  }
.LBB2_2:
0x35: {  	s26 =	sshra.s32 s24, $0x2  }
0x36: {  	[sflag:s22] =	ssyncadd.s32 $0xFFFFE000;
	s24 =	smov.u32 s25;
	s28 =	sadd.s32 $0x400, s25  }
0x37: {  	[tilespmem:s17], [sflag:$0x1] =	stream.indirect.gather [spmem:s3], $0x40, s26, s16, $0xb8;
	[tilespmem:$0x1CA40] =	vst v63  }
0x38: {  	p0 =	sne.s32 s25, $0x9C00;
	s25 =	sadd.s32 $0x80, s26  }
0x39: {  	[tilespmem:s18], [sflag:$0x2] =	stream.indirect.gather [spmem:s3], $0x40, s25, s16, $0xb8;
	[tilespmem:$0x1CA40] =	vst v63  }
0x3a: {  	_ =	swait.ge [sflag:s19], $0x2000  }
0x3b: {  	[sflag:s19] =	ssyncset.done $0x0  }
0x3c: {  	s25 =	sadd.s32 $0x2800, s26;
	[sflag:s19] =	ssyncadd.s32 $0xFFFFE000  }
0x3d: {  	[spmem:s4] =	stream.indirect.scatter.add.f32 [tilespmem:s17], [sflag:$0x3], $0x40, s25, s16, $0xb8;
	[tilespmem:$0x1CA40] =	vst v63  }
0x3e: {  	_ =	swait.ge [sflag:s20], $0x2000  }
0x3f: {  	[sflag:s20] =	ssyncset.done $0x0  }
0x40: {  	s25 =	sadd.s32 $0x2880, s26;
	[sflag:s20] =	ssyncadd.s32 $0xFFFFE000  }
0x41: {  	[spmem:s4] =	stream.indirect.scatter.add.f32 [tilespmem:s18], [sflag:$0x4], $0x40, s25, s16, $0xb8;
	[tilespmem:$0x1CA40] =	vst v63  }
.Ltmp0:
0x42: {  	_ =	swait.ge [sflag:s21], $0x2000;
	(pc) =	sbr.rel @p0 .LBB2_2-.Ltmp0, $4  }
0x43: {  	[sflag:s21] =	ssyncset.done $0x0  }
0x44: {  	[sflag:s21] =	ssyncadd.s32 $0xFFFFE000  }
0x45: {  	_ =	swait.ge [sflag:s22], $0x2000  }
0x46: {  	s25 =	smov.u32 s28;
	[sflag:s22] =	ssyncset.done $0x0  }
0x47: {  	s24 =	sshra.s32 s24, $0x2;
	[sflag:s22] =	ssyncadd.s32 $0xFFFFE000  }
0x48: {  	[tilespmem:s17], [sflag:$0x1] =	stream.indirect.gather [spmem:s3], $0x40, s24, s16, $0xb8;
	[tilespmem:$0x1CA40] =	vst v63  }
0x49: {  	s25 =	sadd.s32 $0x80, s24  }
0x4a: {  	[tilespmem:s18], [sflag:$0x2] =	stream.indirect.gather [spmem:s3], $0x40, s25, s16, $0xb8;
	[tilespmem:$0x1CA40] =	vst v63  }
0x4b: {  	_ =	swait.ge [sflag:s19], $0x2000  }
0x4c: {  	[sflag:s19] =	ssyncset.done $0x0  }
0x4d: {  	s31 =	sadd.s32 $0x2800, s24;
	[sflag:s19] =	ssyncadd.s32 $0xFFFFE000  }
0x4e: {  	[spmem:s4] =	stream.indirect.scatter.add.f32 [tilespmem:s17], [sflag:$0x3], $0x40, s31, s16, $0xb8;
	[tilespmem:$0x1CA40] =	vst v63  }
0x4f: {  	_ =	swait.ge [sflag:s20], $0x2000  }
0x50: {  	[sflag:s20] =	ssyncset.done $0x0  }
0x51: {  	s24 =	sadd.s32 $0x2880, s24;
	[sflag:s20] =	ssyncadd.s32 $0xFFFFE000  }
0x52: {  	[spmem:s4] =	stream.indirect.scatter.add.f32 [tilespmem:s18], [sflag:$0x4], $0x40, s24, s16, $0xb8;
	[tilespmem:$0x1CA40] =	vst v63  }
0x53: {  	_ =	swait.ge [sflag:s21], $0x2000  }
0x54: {  	[sflag:s21] =	ssyncset.done $0x0  }
0x55: {  	[sflag:s21] =	ssyncadd.s32 $0xFFFFE000  }
0x56: {  	_ =	swait.ge [sflag:s22], $0x2000  }
0x57: {  	s23 =	sadd.s32 $0x1, s23;
	[sflag:s22] =	ssyncset.done $0x0  }
0x58: {  	p0 =	sne.s32 s23, s11;
	[sflag:s22] =	ssyncadd.s32 $0xFFFFE000  }
.Ltmp1:
0x59: {  	[bflag:$0x0] =	sbarrier.arrive $0xFFFF;
	(pc) =	sbr.rel @p0 .LBB2_1-.Ltmp1, $4  }
0x5a: {  	[hbm:s10], [sflag:s7] =	dma.local [spmem:s14], $0x13C0  }
0x5b: {  	_ =	swait.ge [sflag:s13], $0x13C0  }
0x5c: {  	[sflag:s13] =	ssyncset.done $0x0  }
0x5d: {  	[sflag:s13] =	ssyncadd.s32 $0xFFFFEC40  }
0x5e: {  	_ =	sfence.sel $0x180000  }
0x5f: {  	[bflag:$0x0] =	sbarrier.arrive $0xFFFF  }
0x60: {  	p0 =	sne.s32 s2, $0x0;
	_ =	strace $0x9000004A  }
0x61: {  	s0 =	sadd.s32 @!p0 $0x100000, s0;
	[bflag:$0x2] =	sbarrier.arrive $0xFFFF  }
0x62: {  	[sflag:s0] =	ssyncadd.tile.s32 @!p0 $0x1;
	_ =	shalt  }
.Lfunc_end2:
_tile_overlayer_lowered:
.L_overlay_start_2:
0x63: {  	(tag) =	ssettag $0x2  }
0x64: {  	s0 =	rddreg [dreg:$0x0];
	s2 =	stileid.u32  }
0x65: {  	s1 =	rddreg [dreg:$0x1];
	p0 =	sne.s32 s2, $0x0  }
0x66: {  	s3 =	rddreg [dreg:$0x2];
	[bflag:$0x3] =	sbarrier.arrive $0xFFFF;
	s2 =	simm.s32 @!p0 $0x1C05  }
0x67: {  	[timem:s3], [sflag:s2] =	dma.local @!p0 [hbm:s0], s1  }
0x68: {  	s0 =	simm.s32 @!p0 $0x5  }
0x69: {  	_ =	swait.ge @!p0 [sflag:s0], s1  }
0x6a: {  	s1 =	ssub.s32 @!p0 $0x0, s1;
	[sflag:s0] =	ssyncset.done @!p0 $0x0  }
0x6b: {  	[sflag:s0] =	ssyncadd.s32 @!p0 s1  }
0x6c: {  	[bflag:$0x3] =	sbarrier.arrive $0xFFFF  }
0x6d: {  	_ =	shalt  }

// kernel: kernel.7.cloned.1.call-start
scs
__scs_entry_jumppad:
0x0: {  	(pc) =	sbr.rel $0x88, $3  }
0x1: {  	(tag) =	ssettag $0x0;
	lr =	simm.s32 $0x1  }
0x2: {  	[smem:$0x3F97] =	sst lr;
	_ =	strace $0xD0000000  }
0x3: {  	_ = 	snop  }
0x4: {  	_ = 	snop  }
0x5: {  	_ = 	snop  }
0x6: {  	_ = 	snop  }
0x7: {  	_ = 	snop  }
__scs_overlays_trampoline_lowered:
0x8: {  	[smem:$0x3FA6] =	sst s0  }
0x9: {  	[smem:$0x3FA7] =	sst s1  }
0xa: {  	[smem:$0x3FA8] =	sst s2  }
0xb: {  	[smem:$0x3FA9] =	sst s3  }
0xc: {  	[smem:$0x3FAA] =	sst s4  }
0xd: {  	[smem:$0x3FAB] =	sst s5  }
0xe: {  	[smem:$0x3FAC] =	sst s6  }
0xf: {  	[smem:$0x3FAD] =	sst s7  }
0x10: {  	[smem:$0x3FAE] =	sst s8  }
0x11: {  	[smem:$0x3FAF] =	sst s9;
	s0 =	simm.s32 @!p0 $0x0  }
0x12: {  	s1 =	sld [smem:$0x3F95];
	s0 =	simm.s32 @p0 $0x1  }
0x13: {  	[smem:$0x3FB0] =	sst s0;
	s0 =	simm.s32 @!p1 $0x0  }
0x14: {  	s2 =	sld [smem:$0x3F94];
	s0 =	simm.s32 @p1 $0x1  }
0x15: {  	[smem:$0x3FB1] =	sst s0;
	s0 =	simm.s32 @!p2 $0x0  }
0x16: {  	s3 =	sld [smem:$0x3FDB];
	s0 =	simm.s32 @p2 $0x1  }
0x17: {  	s4 =	simm.s32 $0x1BF5;
	[smem:$0x3FB3] =	sst s0  }
0x18: {  	s0 =	sld [smem:$0x3F96];
	_ =	swait.ge [sflag:s4], $0x0  }
0x19: {  	s7 =	sld [smem:$0x3F97]  }
0x1a: {  	s8 =	sadd.s32 $0xFFFFE003, lr  }
0x1b: {  	s9 =	sadd.s32 $0xFFFFFEF7, lr;
	s5 =	simm.s32 $0xFFFFFFFF;
	p2 =	slt.u32 s8, $0xFFFFF086  }
0x1c: {  	p1 =	slt.u32 s9, $0xF7A;
	s5 =	simm.s32 @!p2 $0x0  }
0x1d: {  	s5 =	simm.s32 @p1 $0x1;
	p0 =	seq.s32 s7, s2  }
0x1e: {  	s7 =	smul.u32 @!p0 $0xF7A, s2;
	p2 =	seq.s32 @!p0 s5, $0x0  }
0x1f: {  	s9 =	smul.u32 $0xF7A, s1;
	s8 =	simm.s32 @!p0 $0x1BF5;
	p2 =	por !p2, p0  }
0x20: {  	[sflag:s8] =	ssyncset.s32 @!p0 $0xFFFFF086;
	s6 =	sadd.s32 @!p0 s3, s7;
	s7 =	simm.s32 @!p0 $0x108  }
0x21: {  	s3 =	sadd.s32 s3, s9;
	s6 =	sadd.s32 @!p0 $0x88, s6;
	s7 =	simm.s32 @p2 $0x1082  }
0x22: {  	[simem:s7], [sflag:s8] =	dma.local @!p0 [hbm:s6], $0xF7A  }
0x23: {  	s9 =	sor.u32 $0xD0000000, s2;
	s6 =	simm.s32 $0x108;
	_ =	swait.ge @!p0 [sflag:s8], $0x0  }
0x24: {  	s3 =	sadd.s32 $0x88, s3;
	s6 =	simm.s32 @!p1 $0x1082;
	[sflag:s4] =	ssyncset.s32 $0xFFFFF086  }
0x25: {  	[simem:s6], [sflag:s4] =	dma.local [hbm:s3], $0xF7A  }
0x26: {  	[smem:$0x3F97] =	sst s1;
	(tag) =	ssettag s2;
	_ =	strace s9  }
0x27: {  	s1 =	sld [smem:$0x3FA7]  }
0x28: {  	s2 =	sld [smem:$0x3FA8]  }
0x29: {  	s4 =	sld [smem:$0x3FAA]  }
0x2a: {  	p0 =	seq.s32 s5, $0x0;
	s5 =	sld [smem:$0x3FAB]  }
0x2b: {  	s6 =	sld [smem:$0x3FAC]  }
0x2c: {  	s7 =	sld [smem:$0x3FAD]  }
0x2d: {  	s3 =	simm.s32 $0x108;
	s8 =	sld [smem:$0x3FAE]  }
0x2e: {  	s3 =	simm.s32 @!p0 $0x1082;
	s9 =	sld [smem:$0x3FAF]  }
0x2f: {  	lr =	sadd.s32 s0, s3;
	s0 =	sld [smem:$0x3FA6]  }
0x30: {  	s3 =	sld [smem:$0x3FA9]  }
0x31: {  	[smem:$0x3FB2] =	sst s10  }
0x32: {  	s10 =	sld [smem:$0x3FB0];
	_ =	sdelay $0x3  }
0x33: {  	p0 =	seq.s32 s10, $0x1;
	s10 =	sld [smem:$0x3FB2];
	_ =	sdelay $0x3  }
0x34: {  	[smem:$0x3FB2] =	sst s10  }
0x35: {  	s10 =	sld [smem:$0x3FB1];
	_ =	sdelay $0x3  }
0x36: {  	p1 =	seq.s32 s10, $0x1;
	s10 =	sld [smem:$0x3FB2];
	_ =	sdelay $0x3  }
0x37: {  	[smem:$0x3FB2] =	sst s10  }
0x38: {  	s10 =	sld [smem:$0x3FB3]  }
0x39: {  	_ = 	snop;
	(pc) =	sbr.ind lr, $3  }
0x3a: {  	_ = 	snop  }
0x3b: {  	_ = 	snop  }
0x3c: {  	p2 =	seq.s32 s10, $0x1;
	s10 =	sld [smem:$0x3FB2]  }
0x3d: {  	_ =	shalt  }
0x3e: {  	_ =	shalt  }
0x3f: {  	_ =	shalt  }
0x40: {  	_ =	shalt  }
0x41: {  	_ =	shalt  }
0x42: {  	_ =	shalt  }
0x43: {  	_ =	shalt  }
0x44: {  	_ =	shalt  }
0x45: {  	_ =	shalt  }
0x46: {  	_ =	shalt  }
0x47: {  	_ =	shalt  }
0x48: {  	_ =	shalt  }
0x49: {  	_ =	shalt  }
0x4a: {  	_ =	shalt  }
0x4b: {  	_ =	shalt  }
0x4c: {  	_ =	shalt  }
0x4d: {  	_ =	shalt  }
0x4e: {  	_ =	shalt  }
0x4f: {  	_ =	shalt  }
0x50: {  	_ =	shalt  }
0x51: {  	_ =	shalt  }
0x52: {  	_ =	shalt  }
0x53: {  	_ =	shalt  }
0x54: {  	_ =	shalt  }
0x55: {  	_ =	shalt  }
0x56: {  	_ =	shalt  }
0x57: {  	_ =	shalt  }
0x58: {  	_ =	shalt  }
0x59: {  	_ =	shalt  }
0x5a: {  	_ =	shalt  }
0x5b: {  	_ =	shalt  }
0x5c: {  	_ =	shalt  }
0x5d: {  	_ =	shalt  }
0x5e: {  	_ =	shalt  }
0x5f: {  	_ =	shalt  }
0x60: {  	_ =	shalt  }
0x61: {  	_ =	shalt  }
0x62: {  	_ =	shalt  }
0x63: {  	_ =	shalt  }
0x64: {  	_ =	shalt  }
0x65: {  	_ =	shalt  }
0x66: {  	_ =	shalt  }
0x67: {  	_ =	shalt  }
0x68: {  	_ =	shalt  }
0x69: {  	_ =	shalt  }
0x6a: {  	_ =	shalt  }
0x6b: {  	_ =	shalt  }
0x6c: {  	_ =	shalt  }
0x6d: {  	_ =	shalt  }
0x6e: {  	_ =	shalt  }
0x6f: {  	_ =	shalt  }
0x70: {  	_ =	shalt  }
0x71: {  	_ =	shalt  }
0x72: {  	_ =	shalt  }
0x73: {  	_ =	shalt  }
0x74: {  	_ =	shalt  }
0x75: {  	_ =	shalt  }
0x76: {  	_ =	shalt  }
0x77: {  	_ =	shalt  }
0x78: {  	_ =	shalt  }
0x79: {  	_ =	shalt  }
0x7a: {  	_ =	shalt  }
0x7b: {  	_ =	shalt  }
0x7c: {  	_ =	shalt  }
0x7d: {  	_ =	shalt  }
0x7e: {  	_ =	shalt  }
0x7f: {  	_ =	shalt  }
0x80: {  	_ =	shalt  }
0x81: {  	_ =	shalt  }
0x82: {  	_ =	shalt  }
0x83: {  	_ =	shalt  }
0x84: {  	_ =	shalt  }
0x85: {  	_ =	shalt  }
0x86: {  	_ =	shalt  }
0x87: {  	_ =	shalt  }
.Lfunc_end0:
.L_simem_size_0:
called_computation_lowered:
.L_overlay_start_0:
0x88: {  	s2 =	sld [smem:$0x3FD9]  }
0x89: {  	s3 =	sld [smem:$0x3FFE];
	_ =	sdelay $0x1  }
0x8a: {  	s1 =	srdreg.scid  }
0x8b: {  	s0 =	sand.u32 $0x1, s1  }
0x8c: {  	s14 =	sshll.u32 s0, $0xA;
	s2 =	sadd.s32 s3, s2  }
0x8d: {  	s2 =	sadd.s32 s2, s14  }
0x8e: {  	[smem:$0x3FBE] =	sst s2  }
0x8f: {  	_ = 	snop  }
0x90: {  	s2 =	sld [smem:$0x3FD0];
	_ =	sdelay $0x2  }
0x91: {  	s15 =	simm.s32 $0xA;
	s4 =	simm.s32 $0x10  }
0x92: {  	[smem:s4], [sflag:s15] =	dma.local [hbm:s2], $0x1  }
0x93: {  	_ =	swait.eq [sflag:s15], $0x1  }
0x94: {  	[sflag:s15] =	ssyncset.done $0x0  }
0x95: {  	s16 =	sld [smem:$0x10];
	[sflag:s15] =	ssyncadd.s32 $0xFFFFFFFF  }
0x96: {  	s17 =	sld [smem:$0x11];
	(tm) =	ssettm $0x1  }
0x97: {  	s18 =	sld [smem:$0x3FFB];
	_ =	sdelay $0x3  }
0x98: {  	_ =	strace s18  }
0x99: {  	s4 =	sld [smem:$0x3FFC];
	_ =	sdelay $0x3  }
0x9a: {  	_ =	strace s4  }
0x9b: {  	s4 =	sld [smem:$0x3FFD];
	_ =	sdelay $0x3  }
0x9c: {  	_ =	strace s4  }
0x9d: {  	_ =	strace $0x8FFFFFFF  }
0x9e: {  	s19 =	sld [smem:$0x3FDB];
	_ =	sdelay $0x1  }
0x9f: {  	s5 =	simm.s32 $_scs_section_size  }
0xa0: {  	s6 =	simm.s32 $_size__tile_overlayer_lowered;
	s7 =	simm.s32 $_tile_overlayer_lowered  }
0xa1: {  	s22 =	simm.s32 $0x1BFF;
	s21 =	sshll.u32 s7, $0x1;
	s4 =	sadd.s32 s5, s19  }
0xa2: {  	s8 =	simm.s32 $0x0;
	s20 =	sshll.u32 s6, $0x1;
	s6 =	sadd.s32 s21, s4  }
0xa3: {  	[timem:s8], [sflag:s22] =	dma.local [hbm:s6], s20  }
0xa4: {  	_ =	swait.ge [sflag:s22], s20  }
0xa5: {  	s5 =	ssub.s32 $0x0, s20;
	[sflag:s22] =	ssyncset.done $0x0  }
0xa6: {  	[sflag:s22] =	ssyncadd.s32 s5;
	_ =	sdelay $0x1  }
0xa7: {  	s23 =	simm.s32 $0x1B8B  }
0xa8: {  	_ =	swait.ge [sflag:s23], $0x1  }
0xa9: {  	[sflag:s23] =	ssyncset.done $0x0  }
0xaa: {  	s25 =	simm.s32 $0x1B8E;
	s24 =	sld [smem:$0x3FFE];
	[sflag:s23] =	ssyncadd.s32 $0xFFFFFFFF  }
0xab: {  	s26 =	simm.s32 $execute0_lowered;
	[smem:$0x3FD2] =	sst s25  }
0xac: {  	s6 =	sshll.u32 s26, $0x1;
	_ =	strace $0x80000046;
	[dreg:$0x1] =	wrdreg $0xFFFFFFFF  }
0xad: {  	s28 =	simm.s32 $_size_execute0_lowered;
	s4 =	sadd.s32 s4, s6;
	[dreg:$0x0] =	wrdreg $0x0  }
0xae: {  	s6 =	sshll.u32 s28, $0x1;
	[dreg:$0x2] =	wrdreg s4  }
0xaf: {  	[dreg:$0x3] =	wrdreg s6  }
0xb0: {  	[dreg:$0x4] =	wrdreg $0xC0  }
0xb1: {  	_ =	task [dreg:s8], $0x5FFFF  }
0xb2: {  	[dreg:$0x1] =	wrdreg $0xFFFFFFFF  }
0xb3: {  	[dreg:$0x0] =	wrdreg $0x60  }
0xb4: {  	[dreg:$0x2] =	wrdreg s17  }
0xb5: {  	[dreg:$0x3] =	wrdreg s24  }
0xb6: {  	[dreg:$0x4] =	wrdreg s16  }
0xb7: {  	[dreg:$0x5] =	wrdreg $0x98000  }
0xb8: {  	[dreg:$0x6] =	wrdreg $0x134400  }
0xb9: {  	[dreg:$0x7] =	wrdreg $0x1D2400  }
0xba: {  	[dreg:$0x8] =	wrdreg $0x9  }
0xbb: {  	_ =	task.clear_ibuf [dreg:s8], $0x9FFFF;
	_ =	strace $0x90000046  }
0xbc: {  	s29 =	simm.s32 $0x9;
	_ =	strace $0x80000048  }
0xbd: {  	_ =	swait.ge [sflag:s29], $0x1  }
0xbe: {  	[sflag:s29] =	ssyncadd.s32 $0xFFFFFFFF  }
0xbf: {  	_ =	strace $0x90000048  }
0xc0: {  	_ =	sfence  }
0xc1: {  	s30 =	sld [smem:$0x0];
	_ =	sdelay $0x2  }
0xc2: {  	s31 =	sshll.u32 s1, $0xD;
	s1 =	sshrl.u32 s1, $0x2  }
0xc3: {  	s3 =	sand.u32 $0x4000, s31;
	s1 =	sadd.s32 s1, s30  }
0xc4: {  	s0 =	sor.u32 s3, s0;
	s1 =	sshll.u32 s1, $0x11  }
0xc5: {  	s0 =	sor.u32 s1, s0  }
0xc6: {  	s0 =	sadd.s32 $0x8F2B, s0  }
0xc7: {  	[sflag:s0] =	ssyncadd.remote.s32 $0x1  }
0xc8: {  	_ =	sfence.sel $0xFFFF  }
0xc9: {  	[dreg:$0x0] =	wrdreg $0xFFFFFFFF;
	(pc) =	sbr.abs _section_cstart, $3  }
0xca: {  	[dreg:$0x1] =	wrdreg $0xFFFFFFFF  }
0xcb: {  	_ =	task.clear_ibuf [dreg:s8], $0x2FFFF;
	_ =	strace $0x9FFFFFFF  }
0xcc: {  	(tm) =	ssettm $0x7FFFFFFF  }
0xcd: {  	_ =	shalt  }
tec
execute0_lowered:
.L_overlay_start_1:
0x0: {  	(tag) =	ssettag $0x1  }
0x1: {  	s2 =	rddreg [dreg:$0x0]  }
0x2: {  	s0 =	srdreg.scid;
	s9 =	rddreg [dreg:$0x1]  }
0x3: {  	s23 =	stileid.u32;
	s3 =	rddreg [dreg:$0x3];
	s6 =	simm.s32 $0x0  }
0x4: {  	s20 =	simm.s32 $0x9000;
	s21 =	simm.s32 $0x2800;
	s11 =	smul.u32 $0x9E00, s23  }
0x5: {  	s22 =	simm.s32 $0x80;
	s28 =	simm.s32 $0x3;
	s12 =	smul.u32 $0x2780, s23  }
0x6: {  	s29 =	simm.s32 $0x4;
	s10 =	sand.u32 $0x1, s0;
	s16 =	smul.u32 $0x9C40, s23  }
0x7: {  	s30 =	simm.s32 $0x0;
	[smem:$0x7FF] =	sst s6;
	s8 =	smul.u32 $0x9E000, s10  }
0x8: {  	s26 =	sshll.u32 s23, $0x6;
	s4 =	sshll.u32 s10, $0x4;
	s13 =	smul.u32 $0x27800, s10  }
0x9: {  	s10 =	ssub.s32 $0x2, s10;
	s5 =	sor.u32 s23, s4;
	s4 =	rddreg [dreg:$0x4]  }
0xa: {  	s24 =	sshrl.u32 s10, $0x1;
	s25 =	sshrl.u32 s16, $0x3;
	s16 =	sadd.s32 s16, s3  }
0xb: {  	s23 =	simm.s32 $0x5000;
	s7 =	smul.u32 $0x500, s5;
	s5 =	rddreg [dreg:$0x5]  }
0xc: {  	_ =	strace $0x80000047;
	s15 =	sadd.s32 s11, s8;
	s8 =	sadd.s32 $0x16400, s9  }
0xd: {  	s13 =	sadd.s32 s12, s13;
	s18 =	ssub.s32 s10, s24;
	s10 =	sor.u32 $0x1C05, s26  }
0xe: {  	s31 =	sadd.s32 s11, s4;
	s16 =	sshrl.u32 s16, $0x3;
	s24 =	simm.s32 $0x7000  }
0xf: {  	s26 =	simm.s32 $0x2;
	s15 =	sshrl.u32 s15, $0x3;
	s13 =	sshrl.u32 s13, $0x3  }
0x10: {  	s19 =	sadd.s32 s12, s5;
	s14 =	sadd.s32 s7, s9;
	s7 =	sadd.s32 $0x15E00, s9  }
0x11: {  	s15 =	sadd.s32 s15, s9;
	s17 =	sadd.s32 s13, s9;
	s9 =	sadd.s32 s2, s25  }
0x12: {  	s19 =	sshrl.u32 s19, $0x3;
	s25 =	simm.s32 $0x1;
	s11 =	sadd.s32 $0xBE00, s14  }
0x13: {  	s12 =	sadd.s32 $0x1E00, s14;
	s13 =	sadd.s32 $0x20400, s15;
	s14 =	sadd.s32 $0x16600, s17  }
0x14: {  	s15 =	smax.u32 s18, $0x1;
	s17 =	simm.s32 $0x5;
	s18 =	sshrl.u32 s31, $0x3  }
.LBB2_1:
0x15: {  	[spmem:s16], [sflag:s10] =	dma.local [hbm:s9], $0x1388  }
0x16: {  	_ =	swait.ge [sflag:s17], $0x1388  }
0x17: {  	[sflag:s17] =	ssyncset.done $0x0  }
0x18: {  	[sflag:s17] =	ssyncadd.s32 $0xFFFFEC78  }
0x19: {  	s0 =	rddreg [dreg:$0x2]  }
0x1a: {  	[spmem:s18], [sflag:s10] =	dma.local [hbm:s0], $0x13C0  }
0x1b: {  	_ =	swait.ge [sflag:s17], $0x13C0  }
0x1c: {  	[sflag:s17] =	ssyncset.done $0x0  }
0x1d: {  	[sflag:s17] =	ssyncadd.s32 $0xFFFFEC40  }
0x1e: {  	[spmem:s19], [sflag:s10] =	dma.local [hbm:s7], $0x4F0  }
0x1f: {  	_ =	swait.ge [sflag:s17], $0x4F0  }
0x20: {  	[sflag:s17] =	ssyncset.done $0x0  }
0x21: {  	[sflag:s17] =	ssyncadd.s32 $0xFFFFFB10  }
0x22: {  	[tilespmem:s20], [sflag:$0x5] =	stream.linear.gather [hbm4b:s8+s6], $0x800, $0x38;
	[tilespmem:$0x1F9C0] =	vst v63  }
0x23: {  	_ =	swait.ge [sflag:s17], $0x800  }
0x24: {  	[sflag:s17] =	ssyncset.done $0x0  }
0x25: {  	[sflag:s17] =	ssyncadd.s32 $0xFFFFF800  }
0x26: {  	[tilespmem:s6], [sflag:$0x5] =	stream.linear.gather [hbm4b:s11+s6], $0x2800, $0x38;
	[tilespmem:$0x1F9C0] =	vst v63  }
0x27: {  	_ =	swait.ge [sflag:s17], $0x2800  }
0x28: {  	[sflag:s17] =	ssyncset.done $0x0  }
0x29: {  	[sflag:s17] =	ssyncadd.s32 $0xFFFFD800  }
0x2a: {  	[tilespmem:s21], [sflag:$0x5] =	stream.linear.gather [hbm4b:s12+s6], $0x2800, $0x38;
	[tilespmem:$0x1F9C0] =	vst v63  }
0x2b: {  	_ =	swait.ge [sflag:s17], $0x2800  }
0x2c: {  	[sflag:s17] =	ssyncset.done $0x0  }
0x2d: {  	[sflag:s17] =	ssyncadd.s32 $0xFFFFD800  }
0x2e: {  	s2 =	simm.s32 $0x0;
	[bflag:$0x0] =	sbarrier.arrive $0xFFFF  }
0x2f: {  	[tilespmem:s23], [sflag:$0x1] =	stream.indirect.gather [spmem:s3], $0x40, s2, s22, $0xb8;
	[tilespmem:$0x1F9C0] =	vst v63  }
0x30: {  	s1 =	simm.s32 $0x80  }
0x31: {  	[tilespmem:s24], [sflag:$0x2] =	stream.indirect.gather [spmem:s3], $0x40, s1, s22, $0xb8;
	[tilespmem:$0x1F9C0] =	vst v63  }
0x32: {  	_ =	swait.ge [sflag:s25], $0x2000  }
0x33: {  	[sflag:s25] =	ssyncset.done $0x0  }
0x34: {  	s0 =	simm.s32 $0x2800;
	[sflag:s25] =	ssyncadd.s32 $0xFFFFE000  }
0x35: {  	[spmem:s4] =	stream.indirect.scatter.add.f32 [tilespmem:s23], [sflag:$0x3], $0x40, s0, s22, $0xb8;
	[tilespmem:$0x1F9C0] =	vst v63  }
0x36: {  	_ = 	snop  }
0x37: {  	[spmem:s5] =	stream.indirect.scatter.add.f32 [tilespmem:s20], [sflag:$0x5], $0x10, s0, s22, $0xb8;
	[tilespmem:$0x1F9C0] =	vst v63  }
0x38: {  	_ =	swait.ge [sflag:s17], $0x800  }
0x39: {  	[sflag:s17] =	ssyncset.done $0x0  }
0x3a: {  	[sflag:s17] =	ssyncadd.s32 $0xFFFFF800  }
0x3b: {  	_ =	swait.ge [sflag:s26], $0x2000  }
0x3c: {  	[sflag:s26] =	ssyncset.done $0x0  }
0x3d: {  	s1 =	simm.s32 $0x2880;
	[sflag:s26] =	ssyncadd.s32 $0xFFFFE000  }
0x3e: {  	[spmem:s4] =	stream.indirect.scatter.add.f32 [tilespmem:s24], [sflag:$0x4], $0x40, s1, s22, $0xb8;
	[tilespmem:$0x1F9C0] =	vst v63  }
0x3f: {  	_ = 	snop  }
0x40: {  	[spmem:s5] =	stream.indirect.scatter.add.f32 [tilespmem:s20], [sflag:$0x5], $0x10, s1, s22, $0xb8;
	[tilespmem:$0x1F9C0] =	vst v63  }
0x41: {  	_ =	swait.ge [sflag:s17], $0x800  }
0x42: {  	[sflag:s17] =	ssyncset.done $0x0  }
0x43: {  	[sflag:s17] =	ssyncadd.s32 $0xFFFFF800  }
0x44: {  	_ =	swait.ge [sflag:s28], $0x2000  }
0x45: {  	[sflag:s28] =	ssyncset.done $0x0  }
0x46: {  	[sflag:s28] =	ssyncadd.s32 $0xFFFFE000  }
0x47: {  	_ =	swait.ge [sflag:s29], $0x2000  }
0x48: {  	s31 =	simm.s32 $0x400;
	s2 =	simm.s32 $0x800;
	[sflag:s29] =	ssyncset.done $0x0  }
.LBB2_2:
0x49: {  	s0 =	sshra.s32 s31, $0x2  }
0x4a: {  	[sflag:s29] =	ssyncadd.s32 $0xFFFFE000;
	s31 =	smov.u32 s2;
	s1 =	sadd.s32 $0x400, s2  }
0x4b: {  	[tilespmem:s23], [sflag:$0x1] =	stream.indirect.gather [spmem:s3], $0x40, s0, s22, $0xb8;
	[tilespmem:$0x1F9C0] =	vst v63  }
0x4c: {  	p0 =	sne.s32 s2, $0x9C00;
	s2 =	sadd.s32 $0x80, s0  }
0x4d: {  	[tilespmem:s24], [sflag:$0x2] =	stream.indirect.gather [spmem:s3], $0x40, s2, s22, $0xb8;
	[tilespmem:$0x1F9C0] =	vst v63  }
0x4e: {  	_ =	swait.ge [sflag:s25], $0x2000  }
0x4f: {  	[sflag:s25] =	ssyncset.done $0x0  }
0x50: {  	s2 =	sadd.s32 $0x2800, s0;
	[sflag:s25] =	ssyncadd.s32 $0xFFFFE000  }
0x51: {  	[spmem:s4] =	stream.indirect.scatter.add.f32 [tilespmem:s23], [sflag:$0x3], $0x40, s2, s22, $0xb8;
	[tilespmem:$0x1F9C0] =	vst v63  }
0x52: {  	_ = 	snop  }
0x53: {  	[spmem:s5] =	stream.indirect.scatter.add.f32 [tilespmem:s20], [sflag:$0x5], $0x10, s2, s22, $0xb8;
	[tilespmem:$0x1F9C0] =	vst v63  }
0x54: {  	_ =	swait.ge [sflag:s17], $0x800  }
0x55: {  	[sflag:s17] =	ssyncset.done $0x0  }
0x56: {  	[sflag:s17] =	ssyncadd.s32 $0xFFFFF800  }
0x57: {  	_ =	swait.ge [sflag:s26], $0x2000  }
0x58: {  	[sflag:s26] =	ssyncset.done $0x0  }
0x59: {  	s0 =	sadd.s32 $0x2880, s0;
	[sflag:s26] =	ssyncadd.s32 $0xFFFFE000  }
0x5a: {  	[spmem:s4] =	stream.indirect.scatter.add.f32 [tilespmem:s24], [sflag:$0x4], $0x40, s0, s22, $0xb8;
	[tilespmem:$0x1F9C0] =	vst v63  }
0x5b: {  	_ = 	snop  }
0x5c: {  	[spmem:s5] =	stream.indirect.scatter.add.f32 [tilespmem:s20], [sflag:$0x5], $0x10, s0, s22, $0xb8;
	[tilespmem:$0x1F9C0] =	vst v63  }
0x5d: {  	_ =	swait.ge [sflag:s17], $0x800  }
0x5e: {  	[sflag:s17] =	ssyncset.done $0x0  }
0x5f: {  	[sflag:s17] =	ssyncadd.s32 $0xFFFFF800  }
.Ltmp0:
0x60: {  	_ =	swait.ge [sflag:s28], $0x2000;
	(pc) =	sbr.rel @p0 .LBB2_2-.Ltmp0, $4  }
0x61: {  	[sflag:s28] =	ssyncset.done $0x0  }
0x62: {  	[sflag:s28] =	ssyncadd.s32 $0xFFFFE000  }
0x63: {  	_ =	swait.ge [sflag:s29], $0x2000  }
0x64: {  	s2 =	smov.u32 s1;
	[sflag:s29] =	ssyncset.done $0x0  }
0x65: {  	s0 =	sshra.s32 s31, $0x2;
	[sflag:s29] =	ssyncadd.s32 $0xFFFFE000  }
0x66: {  	[tilespmem:s23], [sflag:$0x1] =	stream.indirect.gather [spmem:s3], $0x40, s0, s22, $0xb8;
	[tilespmem:$0x1F9C0] =	vst v63  }
0x67: {  	s1 =	sadd.s32 $0x80, s0  }
0x68: {  	[tilespmem:s24], [sflag:$0x2] =	stream.indirect.gather [spmem:s3], $0x40, s1, s22, $0xb8;
	[tilespmem:$0x1F9C0] =	vst v63  }
0x69: {  	_ =	swait.ge [sflag:s25], $0x2000  }
0x6a: {  	[sflag:s25] =	ssyncset.done $0x0  }
0x6b: {  	s31 =	sadd.s32 $0x2800, s0;
	[sflag:s25] =	ssyncadd.s32 $0xFFFFE000  }
0x6c: {  	[spmem:s4] =	stream.indirect.scatter.add.f32 [tilespmem:s23], [sflag:$0x3], $0x40, s31, s22, $0xb8;
	[tilespmem:$0x1F9C0] =	vst v63  }
0x6d: {  	_ = 	snop  }
0x6e: {  	[spmem:s5] =	stream.indirect.scatter.add.f32 [tilespmem:s20], [sflag:$0x5], $0x10, s31, s22, $0xb8;
	[tilespmem:$0x1F9C0] =	vst v63  }
0x6f: {  	_ =	swait.ge [sflag:s17], $0x800  }
0x70: {  	[sflag:s17] =	ssyncset.done $0x0  }
0x71: {  	[sflag:s17] =	ssyncadd.s32 $0xFFFFF800  }
0x72: {  	_ =	swait.ge [sflag:s26], $0x2000  }
0x73: {  	[sflag:s26] =	ssyncset.done $0x0  }
0x74: {  	s0 =	sadd.s32 $0x2880, s0;
	[sflag:s26] =	ssyncadd.s32 $0xFFFFE000  }
0x75: {  	[spmem:s4] =	stream.indirect.scatter.add.f32 [tilespmem:s24], [sflag:$0x4], $0x40, s0, s22, $0xb8;
	[tilespmem:$0x1F9C0] =	vst v63  }
0x76: {  	_ = 	snop  }
0x77: {  	[spmem:s5] =	stream.indirect.scatter.add.f32 [tilespmem:s20], [sflag:$0x5], $0x10, s0, s22, $0xb8;
	[tilespmem:$0x1F9C0] =	vst v63  }
0x78: {  	_ =	swait.ge [sflag:s17], $0x800  }
0x79: {  	[sflag:s17] =	ssyncset.done $0x0  }
0x7a: {  	[sflag:s17] =	ssyncadd.s32 $0xFFFFF800  }
0x7b: {  	_ =	swait.ge [sflag:s28], $0x2000  }
0x7c: {  	[sflag:s28] =	ssyncset.done $0x0  }
0x7d: {  	[sflag:s28] =	ssyncadd.s32 $0xFFFFE000  }
0x7e: {  	_ =	swait.ge [sflag:s29], $0x2000  }
0x7f: {  	[sflag:s29] =	ssyncset.done $0x0  }
0x80: {  	[sflag:s29] =	ssyncadd.s32 $0xFFFFE000  }
0x81: {  	[bflag:$0x0] =	sbarrier.arrive $0xFFFF  }
0x82: {  	[hbm:s13], [sflag:s10] =	dma.local [spmem:s18], $0x13C0  }
0x83: {  	s30 =	sadd.s32 $0x1, s30;
	_ =	swait.ge [sflag:s17], $0x13C0  }
0x84: {  	p0 =	sne.s32 s30, s15;
	[sflag:s17] =	ssyncset.done $0x0  }
.Ltmp1:
0x85: {  	[sflag:s17] =	ssyncadd.s32 $0xFFFFEC40;
	(pc) =	sbr.rel @p0 .LBB2_1-.Ltmp1, $4  }
0x86: {  	[hbm:s14], [sflag:s10] =	dma.local [spmem:s19], $0x4F0  }
0x87: {  	_ =	swait.ge [sflag:s17], $0x4F0  }
0x88: {  	[sflag:s17] =	ssyncset.done $0x0  }
0x89: {  	[sflag:s17] =	ssyncadd.s32 $0xFFFFFB10  }
0x8a: {  	_ =	sfence.sel $0x180000  }
0x8b: {  	[bflag:$0x0] =	sbarrier.arrive $0xFFFF  }
0x8c: {  	_ =	strace $0x90000047  }
0x8d: {  	s0 =	stileid.u32;
	[bflag:$0x2] =	sbarrier.arrive $0xFFFF  }
0x8e: {  	p0 =	sne.s32 s0, $0x0;
	s0 =	rddreg [dreg:$0x6]  }
0x8f: {  	s0 =	sadd.s32 @!p0 $0x100000, s0  }
0x90: {  	[sflag:s0] =	ssyncadd.tile.s32 @!p0 $0x1;
	_ =	shalt  }
.Lfunc_end2:
_tile_overlayer_lowered:
.L_overlay_start_2:
0x91: {  	(tag) =	ssettag $0x2  }
0x92: {  	s0 =	rddreg [dreg:$0x0];
	s2 =	stileid.u32  }
0x93: {  	s1 =	rddreg [dreg:$0x1];
	p0 =	sne.s32 s2, $0x0  }
0x94: {  	s3 =	rddreg [dreg:$0x2];
	[bflag:$0x3] =	sbarrier.arrive $0xFFFF;
	s2 =	simm.s32 @!p0 $0x1C05  }
0x95: {  	[timem:s3], [sflag:s2] =	dma.local @!p0 [hbm:s0], s1  }
0x96: {  	s0 =	simm.s32 @!p0 $0x5  }
0x97: {  	_ =	swait.ge @!p0 [sflag:s0], s1  }
0x98: {  	s1 =	ssub.s32 @!p0 $0x0, s1;
	[sflag:s0] =	ssyncset.done @!p0 $0x0  }
0x99: {  	[sflag:s0] =	ssyncadd.s32 @!p0 s1  }
0x9a: {  	[bflag:$0x3] =	sbarrier.arrive $0xFFFF  }
0x9b: {  	_ =	shalt  }

</sc_bundles>
